<compile_context>
chip_gen: v7x
topology: tpu7x:2x2x1
jax: 0.10.2.dev20260603
libtpu: 0.0.44.dev20260713+nightly
codegen_flags: <defaults>
</compile_context>

<pallas_src>
import functools

import jax
import jax.numpy as jnp
import numpy as np
from jax import lax
from jax.experimental import pallas as pl
from jax.experimental.pallas import tpu as pltpu
from jax.experimental.pallas import tpu_sc as plsc

_BBOX_CLIP = float(np.log(1000.0 / 16.0))
_NBOX = 9216
_NIMG = 2
_NSUB = 16
_PER = _NBOX // _NSUB
_NV = _PER // 16
_TOPN = 1000
_NEG = np.float32(-1.0e30)
_NEGH = np.float32(-1.0e29)
_BIGI = np.int32(2**30)


def _anchors_const(H, W, stride, sizes, ratios):
    sizes = jnp.array(sizes, jnp.float32)
    ratios = jnp.array(ratios, jnp.float32)
    h_r = jnp.sqrt(ratios)
    w_r = 1.0 / h_r
    ws = (w_r[:, None] * sizes[None, :]).reshape(-1)
    hs = (h_r[:, None] * sizes[None, :]).reshape(-1)
    base = jnp.stack([-ws, -hs, ws, hs], axis=1) / 2.0
    sy, sx = jnp.meshgrid(jnp.arange(H, dtype=jnp.float32) * stride,
                          jnp.arange(W, dtype=jnp.float32) * stride, indexing='ij')
    shifts = jnp.stack([sx, sy, sx, sy], axis=-1).reshape(-1, 4)
    return (shifts[:, None, :] + base[None, :, :]).reshape(-1, 4)


def _conv_nchw(x, w, b, pad):
    y = lax.conv_general_dilated(x, w, (1, 1), [(pad, pad), (pad, pad)],
                                 dimension_numbers=('NCHW', 'OIHW', 'NCHW'))
    return y + b[None, :, None, None]


def _sc_nms_kernel(dlt_hbm, anch_hbm, probs_hbm, boxes_hbm, scores_hbm,
                   D0, D1, D2, D3, B0, B1, B2, B3, PSC, CAND, STG, OB, OS,
                   ACCK, ACCI, SHARED):
    c = lax.axis_index("c")
    s = lax.axis_index("s")
    base = s * _PER
    iota = lax.iota(jnp.int32, 16)
    fiota = iota.astype(jnp.float32)

    img_d = c * (4 * _NBOX)
    pltpu.sync_copy(dlt_hbm.at[pl.ds(img_d + 0 * _NBOX, _NBOX)], D0)
    pltpu.sync_copy(dlt_hbm.at[pl.ds(img_d + 1 * _NBOX, _NBOX)], D1)
    pltpu.sync_copy(dlt_hbm.at[pl.ds(img_d + 2 * _NBOX, _NBOX)], D2)
    pltpu.sync_copy(dlt_hbm.at[pl.ds(img_d + 3 * _NBOX, _NBOX)], D3)
    pltpu.sync_copy(anch_hbm.at[pl.ds(0 * _NBOX, _NBOX)], B0)
    pltpu.sync_copy(anch_hbm.at[pl.ds(1 * _NBOX, _NBOX)], B1)
    pltpu.sync_copy(anch_hbm.at[pl.ds(2 * _NBOX, _NBOX)], B2)
    pltpu.sync_copy(anch_hbm.at[pl.ds(3 * _NBOX, _NBOX)], B3)
    pltpu.sync_copy(probs_hbm.at[pl.ds(c * _NBOX, _NBOX)], PSC)

    def decode_body(j, _):
        sl = pl.ds(j * 16, 16)
        dx = D0[sl]
        dy = D1[sl]
        dw = D2[sl]
        dh = D3[sl]
        aw = B0[sl]
        ah = B1[sl]
        acx = B2[sl]
        acy = B3[sl]
        sc = PSC[sl]
        pcx = dx * aw + acx
        pcy = dy * ah + acy
        pw = jnp.exp(jnp.minimum(dw, _BBOX_CLIP)) * aw
        ph = jnp.exp(jnp.minimum(dh, _BBOX_CLIP)) * ah
        x1 = pcx - 0.5 * pw
        y1 = pcy - 0.5 * ph
        x2 = pcx + 0.5 * pw
        y2 = pcy + 0.5 * ph
        x1 = jnp.minimum(jnp.maximum(x1, 0.0), 512.0)
        y1 = jnp.minimum(jnp.maximum(y1, 0.0), 512.0)
        x2 = jnp.minimum(jnp.maximum(x2, 0.0), 512.0)
        y2 = jnp.minimum(jnp.maximum(y2, 0.0), 512.0)
        wd = x2 - x1
        hg = y2 - y1
        valid = (wd >= 0.01) & (hg >= 0.01)
        area = jnp.maximum(wd, 0.0) * jnp.maximum(hg, 0.0)
        gidx = (j * 16 + iota).astype(jnp.float32)
        akey = jnp.where(valid, sc, _NEG)
        skey = jnp.where(valid, _NEG, -(2.0 + gidx))
        D0[sl] = x1
        D1[sl] = y1
        D2[sl] = x2
        D3[sl] = y2
        B0[sl] = area
        B1[sl] = akey
        B2[sl] = skey
        return 0

    lax.fori_loop(0, _NBOX // 16, decode_body, 0)

    zero16 = jnp.zeros((16,), jnp.int32)
    negv16 = jnp.full((16,), _NEG, jnp.float32)

    def full_amax(use_a):
        ACCK[...] = negv16
        ACCI[...] = zero16

        def amax_body(j, _):
            sl = pl.ds(base + j * 16, 16)
            k = B1[sl] if use_a else B2[sl]
            idx = base + j * 16 + iota
            bk = ACCK[...]
            better = k > bk
            ACCK[...] = jnp.where(better, k, bk)
            ACCI[...] = jnp.where(better, idx, ACCI[...])
            return 0

        lax.fori_loop(0, _NV, amax_body, 0, unroll=2)

    full_amax(True)
    STG[...] = negv16
    pltpu.sync_copy(STG.at[pl.ds(0, 8)], SHARED.at[pl.ds(0 * 128 + s * 8, 8)])
    pltpu.sync_copy(STG.at[pl.ds(0, 8)], SHARED.at[pl.ds(1 * 128 + s * 8, 8)])
    plsc.subcore_barrier()

    def round_body(rnd, carry):
        r, mode = carry
        parity = lax.rem(rnd, 2)
        in_nms = mode == 0

        bk = ACCK[...]
        bi = ACCI[...]
        mk = jnp.max(bk)
        wi = jnp.min(jnp.where(bk == mk, bi, _BIGI))
        wi_f = plsc.bitcast(jnp.full((16,), wi, jnp.int32), jnp.float32)
        STG[...] = jnp.where(iota == 0, jnp.full((16,), mk, jnp.float32),
                             jnp.where(iota == 1, wi_f, 0.0))
        pltpu.sync_copy(STG.at[pl.ds(0, 8)], SHARED.at[pl.ds(parity * 128 + s * 8, 8)])
        plsc.subcore_barrier()
        pltpu.sync_copy(SHARED.at[pl.ds(parity * 128, 128)], CAND)
        keys = plsc.load_gather(CAND, [iota * 8])
        idxs = plsc.bitcast(plsc.load_gather(CAND, [iota * 8 + 1]), jnp.int32)
        gm = jnp.max(keys)
        gw = jnp.min(jnp.where(keys == gm, idxs, _BIGI))
        empty = gm < _NEGH
        active = jnp.logical_not(empty) & (r < _TOPN)
        gw_v = jnp.full((16,), gw, jnp.int32)
        owner = (gw >= base) & (gw < base + _PER)

        @pl.when(in_nms & active)
        def _suppress():
            bx1 = plsc.load_gather(D0, [gw_v])
            by1 = plsc.load_gather(D1, [gw_v])
            bx2 = plsc.load_gather(D2, [gw_v])
            by2 = plsc.load_gather(D3, [gw_v])
            av = plsc.load_gather(B0, [gw_v])
            ACCK[...] = negv16
            ACCI[...] = zero16

            def sup_body(j, _):
                sl = pl.ds(base + j * 16, 16)
                x1 = D0[sl]
                y1 = D1[sl]
                x2 = D2[sl]
                y2 = D3[sl]
                ar = B0[sl]
                a = B1[sl]
                sv = B2[sl]
                sc = PSC[sl]
                xx1 = jnp.maximum(bx1, x1)
                yy1 = jnp.maximum(by1, y1)
                xx2 = jnp.minimum(bx2, x2)
                yy2 = jnp.minimum(by2, y2)
                inter = jnp.maximum(xx2 - xx1, 0.0) * jnp.maximum(yy2 - yy1, 0.0)
                iou = inter / (av + ar - inter + 1e-12)
                sup = iou > 0.7
                alive = a > _NEGH
                anew = jnp.where(sup, _NEG, a)
                B2[sl] = jnp.where(sup & alive, sc, sv)
                B1[sl] = anew
                idx = base + j * 16 + iota
                bk = ACCK[...]
                better = anew > bk
                ACCK[...] = jnp.where(better, anew, bk)
                ACCI[...] = jnp.where(better, idx, ACCI[...])
                return 0

            lax.fori_loop(0, _NV, sup_body, 0, unroll=2)

        @pl.when(in_nms & empty)
        def _transition():
            full_amax(False)

        @pl.when(active)
        def _commit():
            lane0 = iota == 0
            plsc.store_scatter(B1, [gw_v], negv16, mask=lane0)
            plsc.store_scatter(B2, [gw_v], negv16, mask=lane0)

            @pl.when(jnp.logical_not(in_nms) & owner)
            def _rescan():
                full_amax(False)

            @pl.when(s == 0)
            def _write_out():
                bx1 = plsc.load_gather(D0, [gw_v])
                by1 = plsc.load_gather(D1, [gw_v])
                bx2 = plsc.load_gather(D2, [gw_v])
                by2 = plsc.load_gather(D3, [gw_v])
                coords = jnp.where(iota == 0, bx1,
                                   jnp.where(iota == 1, by1,
                                             jnp.where(iota == 2, bx2, by2)))
                plsc.store_scatter(OB, [r * 4 + jnp.minimum(iota, 3)], coords,
                                   mask=iota < 4)
                sval = jnp.where(in_nms, gm, jnp.float32(-1.0))
                plsc.store_scatter(OS, [jnp.full((16,), r, jnp.int32)],
                                   jnp.full((16,), sval, jnp.float32), mask=lane0)

        r = r + jnp.where(active, 1, 0)
        mode = jnp.where(empty, 1, mode)
        return r, mode

    lax.fori_loop(0, _TOPN + 1, round_body, (jnp.int32(0), jnp.int32(0)))

    @pl.when(s == 0)
    def _():
        pltpu.sync_copy(OB, boxes_hbm.at[pl.ds(c * (4 * _TOPN), 4 * _TOPN)])
        pltpu.sync_copy(OS, scores_hbm.at[pl.ds(c * _TOPN, _TOPN)])


def _sc_nms(dlt_flat, anch_flat, probs_flat):
    mesh = plsc.VectorSubcoreMesh(core_axis_name="c", subcore_axis_name="s",
                                  num_cores=2, num_subcores=_NSUB)
    f32 = jnp.float32
    kern = pl.kernel(
        _sc_nms_kernel,
        out_type=(jax.ShapeDtypeStruct((_NIMG * _TOPN * 4,), f32),
                  jax.ShapeDtypeStruct((_NIMG * _TOPN,), f32)),
        mesh=mesh,
        compiler_params=pltpu.CompilerParams(needs_layout_passes=False),
        scratch_types=[
            pltpu.VMEM((_NBOX,), f32),
            pltpu.VMEM((_NBOX,), f32),
            pltpu.VMEM((_NBOX,), f32),
            pltpu.VMEM((_NBOX,), f32),
            pltpu.VMEM((_NBOX,), f32),
            pltpu.VMEM((_NBOX,), f32),
            pltpu.VMEM((_NBOX,), f32),
            pltpu.VMEM((_NBOX,), f32),
            pltpu.VMEM((_NBOX,), f32),
            pltpu.VMEM((128,), f32),
            pltpu.VMEM((16,), f32),
            pltpu.VMEM((4 * _TOPN,), f32),
            pltpu.VMEM((_TOPN,), f32),
            pltpu.VMEM((16,), f32),
            pltpu.VMEM((16,), jnp.int32),
            pltpu.VMEM_SHARED((256,), f32),
        ],
    )
    return kern(dlt_flat, anch_flat, probs_flat)


def kernel(images, features, W1, b1, Wc, bc, Wr, br):
    N, C, Hf, Wf = features.shape
    A = Wc.shape[0]
    stride = images.shape[-1] // Wf
    anchors = _anchors_const(Hf, Wf, float(stride), (64.0, 128.0, 256.0),
                             (0.5, 1.0, 2.0))
    t = jax.nn.relu(_conv_nchw(features, W1, b1, 1))
    objectness = _conv_nchw(t, Wc, bc, 0)
    pred_deltas = _conv_nchw(t, Wr, br, 0)
    obj = objectness.reshape(N, A, 1, Hf, Wf).transpose(0, 3, 4, 1, 2).reshape(N, -1)
    dlt = pred_deltas.reshape(N, A, 4, Hf, Wf).transpose(0, 3, 4, 1, 2).reshape(N, -1, 4)
    probs = jax.nn.sigmoid(lax.stop_gradient(obj))
    dlt = lax.stop_gradient(dlt)

    def nms_branch(dlt_in, probs_in):
        aw = anchors[:, 2] - anchors[:, 0]
        ah = anchors[:, 3] - anchors[:, 1]
        acx = anchors[:, 0] + 0.5 * aw
        acy = anchors[:, 1] + 0.5 * ah
        anch_flat = jnp.concatenate([aw, ah, acx, acy])
        dlt_flat = dlt_in.transpose(0, 2, 1).reshape(-1)
        probs_flat = probs_in.reshape(-1)
        bf, sf = _sc_nms(dlt_flat, anch_flat, probs_flat)
        return bf.reshape(_NIMG, _TOPN, 4), sf.reshape(_NIMG, _TOPN)

    def zero_branch(dlt_in, probs_in):
        return (jnp.zeros((_NIMG, _TOPN, 4), jnp.float32),
                jnp.zeros((_NIMG, _TOPN), jnp.float32))

    pred = lax.optimization_barrier(jnp.bool_(True))
    boxes, scores = lax.cond(pred, nms_branch, zero_branch, dlt, probs)
    return boxes, scores

# --- scband reference (transcript-rebuilt; emitter-appended) ---
"""Pipeline reference for scband-region-proposal-network-12610023981674 (READ-ONLY COPY).

The authoritative reference and input builder live on the scoring server;
editing this copy changes nothing except your own understanding.
"""

import jax, jax.numpy as jnp
import numpy as np
from jax import lax

BBOX_CLIP = float(np.log(1000.0 / 16.0))


def _make_anchors(H, W, stride, sizes, ratios):
    sizes = jnp.array(sizes, jnp.float32)
    ratios = jnp.array(ratios, jnp.float32)
    h_r = jnp.sqrt(ratios)
    w_r = 1.0 / h_r
    ws = (w_r[:, None] * sizes[None, :]).reshape(-1)
    hs = (h_r[:, None] * sizes[None, :]).reshape(-1)
    base = jnp.stack([-ws, -hs, ws, hs], axis=1) / 2.0  # [A,4]
    sy, sx = jnp.meshgrid(jnp.arange(H, dtype=jnp.float32) * stride,
                          jnp.arange(W, dtype=jnp.float32) * stride, indexing='ij')
    shifts = jnp.stack([sx, sy, sx, sy], axis=-1).reshape(-1, 4)  # h-major, then w
    anchors = (shifts[:, None, :] + base[None, :, :]).reshape(-1, 4)  # (h, w, a) order
    return anchors


def _conv(x, w, b, pad):
    y = lax.conv_general_dilated(x, w, (1, 1), [(pad, pad), (pad, pad)],
                                 dimension_numbers=('NCHW', 'OIHW', 'NCHW'))
    return y + b[None, :, None, None]


def _decode(deltas, anchors):
    widths = anchors[:, 2] - anchors[:, 0]
    heights = anchors[:, 3] - anchors[:, 1]
    ctr_x = anchors[:, 0] + 0.5 * widths
    ctr_y = anchors[:, 1] + 0.5 * heights
    dx, dy = deltas[..., 0], deltas[..., 1]
    dw = jnp.minimum(deltas[..., 2], BBOX_CLIP)
    dh = jnp.minimum(deltas[..., 3], BBOX_CLIP)
    pcx = dx * widths + ctr_x
    pcy = dy * heights + ctr_y
    pw = jnp.exp(dw) * widths
    ph = jnp.exp(dh) * heights
    return jnp.stack([pcx - 0.5 * pw, pcy - 0.5 * ph, pcx + 0.5 * pw, pcy + 0.5 * ph], axis=-1)


def _nms_select(boxes, scores, valid, iou_thresh, top_n):
    # Greedy NMS over fixed-size arrays; returns top_n kept indices (score-desc) + their scores.
    N = boxes.shape[0]
    neg = jnp.where(valid, scores, -jnp.inf)
    order = jnp.argsort(-neg)
    b = boxes[order]
    v = valid[order]
    s = scores[order]
    areas = jnp.maximum(b[:, 2] - b[:, 0], 0.0) * jnp.maximum(b[:, 3] - b[:, 1], 0.0)
    idxs = jnp.arange(N)

    def body(i, keep):
        bi = b[i]
        xx1 = jnp.maximum(bi[0], b[:, 0])
        yy1 = jnp.maximum(bi[1], b[:, 1])
        xx2 = jnp.minimum(bi[2], b[:, 2])
        yy2 = jnp.minimum(bi[3], b[:, 3])
        inter = jnp.maximum(xx2 - xx1, 0.0) * jnp.maximum(yy2 - yy1, 0.0)
        iou = inter / (areas[i] + areas - inter + 1e-12)
        sup = (iou > iou_thresh) & keep[i] & (idxs > i)
        return keep & (~sup)

    keep = lax.fori_loop(0, N, body, v)
    kept_scores = jnp.where(keep, s, -1.0)
    top_s, top_i = lax.top_k(kept_scores, top_n)
    return order[top_i], top_s


def setup_inputs(seed: int = 0):
    key = jax.random.key(seed)
    ks = jax.random.split(key, 6)
    images = jax.random.normal(ks[0], (2, 3, 512, 512), jnp.float32)
    features = jax.random.normal(ks[1], (2, 256, 32, 32), jnp.float32)
    W1 = jax.random.normal(ks[2], (256, 256, 3, 3), jnp.float32) * 0.02
    b1 = jnp.zeros((256,), jnp.float32)
    Wc = jax.random.normal(ks[3], (9, 256, 1, 1), jnp.float32) * 0.02
    bc = jnp.zeros((9,), jnp.float32)
    Wr = jax.random.normal(ks[4], (36, 256, 1, 1), jnp.float32) * 0.02
    br = jnp.zeros((36,), jnp.float32)
    return {"images": images, "features": features, "W1": W1, "b1": b1,
            "Wc": Wc, "bc": bc, "Wr": Wr, "br": br}


def reference(images, features, W1, b1, Wc, bc, Wr, br):
    # Eval-mode RPN forward: anchors -> head -> convert -> decode -> filter_proposals.
    N, C, Hf, Wf = features.shape
    A = Wc.shape[0]
    stride = images.shape[-1] // Wf  # 16
    anchors = _make_anchors(Hf, Wf, float(stride), (64.0, 128.0, 256.0), (0.5, 1.0, 2.0))
    t = jax.nn.relu(_conv(features, W1, b1, 1))
    objectness = _conv(t, Wc, bc, 0)        # [N, A, Hf, Wf]
    pred_deltas = _conv(t, Wr, br, 0)       # [N, 4A, Hf, Wf]
    # convert(): (N, A*k, H, W) -> (N, H*W*A, k)
    obj = objectness.reshape(N, A, 1, Hf, Wf).transpose(0, 3, 4, 1, 2).reshape(N, -1)
    dlt = pred_deltas.reshape(N, A, 4, Hf, Wf).transpose(0, 3, 4, 1, 2).reshape(N, -1, 4)
    proposals = _decode(lax.stop_gradient(dlt), anchors)  # .detach() in torch code
    probs = jax.nn.sigmoid(lax.stop_gradient(obj))        # objectness.detach()
    img_h, img_w = images.shape[-2], images.shape[-1]
    min_size, nms_thresh, top_n = 0.01, 0.7, 1000  # top_n_test (eval mode)
    out_scores, out_boxes = [], []
    for n in range(N):
        p = proposals[n]
        p = jnp.stack([jnp.clip(p[:, 0], 0.0, img_w), jnp.clip(p[:, 1], 0.0, img_h),
                       jnp.clip(p[:, 2], 0.0, img_w), jnp.clip(p[:, 3], 0.0, img_h)], axis=1)
        valid = ((p[:, 2] - p[:, 0]) >= min_size) & ((p[:, 3] - p[:, 1]) >= min_size)
        ids, top_s = _nms_select(p, probs[n], valid, nms_thresh, top_n)
        out_boxes.append(p[ids])
        out_scores.append(top_s)
    filtered_proposals = jnp.stack(out_boxes, 0)   # [N, 1000, 4]
    filtered_scores = jnp.stack(out_scores, 0)     # [N, 1000]
    return (filtered_proposals, filtered_scores)

if __name__ == "__main__":
    import jax
    _d = setup_inputs()
    print(jax.jit(kernel)(*tuple(_d.values())))

</pallas_src>

<mosaic_0001>
#map = affine_map<(d0, d1) -> (0)>
module attributes {stable_mosaic.version = 14 : i64} {
  func.func @_sc_nms_kernel(%arg0: i32, %arg1: i32, %arg2: memref<73728xf32, #tpu.memory_space<hbm>>, %arg3: memref<36864xf32, #tpu.memory_space<hbm>>, %arg4: memref<18432xf32, #tpu.memory_space<hbm>>, %arg5: memref<8000xf32, #tpu.memory_space<hbm>>, %arg6: memref<2000xf32, #tpu.memory_space<hbm>>, %arg7: memref<9216xf32, #tpu.memory_space<vmem>>, %arg8: memref<9216xf32, #tpu.memory_space<vmem>>, %arg9: memref<9216xf32, #tpu.memory_space<vmem>>, %arg10: memref<9216xf32, #tpu.memory_space<vmem>>, %arg11: memref<9216xf32, #tpu.memory_space<vmem>>, %arg12: memref<9216xf32, #tpu.memory_space<vmem>>, %arg13: memref<9216xf32, #tpu.memory_space<vmem>>, %arg14: memref<9216xf32, #tpu.memory_space<vmem>>, %arg15: memref<9216xf32, #tpu.memory_space<vmem>>, %arg16: memref<128xf32, #tpu.memory_space<vmem>>, %arg17: memref<16xf32, #tpu.memory_space<vmem>>, %arg18: memref<4000xf32, #tpu.memory_space<vmem>>, %arg19: memref<1000xf32, #tpu.memory_space<vmem>>, %arg20: memref<16xf32, #tpu.memory_space<vmem>>, %arg21: memref<16xi32, #tpu.memory_space<vmem>>, %arg22: memref<256xf32, #tpu.memory_space<vmem_shared>>) attributes {dimension_semantics = [#tpu.dimension_semantics<core_parallel>, #tpu.dimension_semantics<subcore_parallel>], iteration_bounds = array<i64: 2, 16>, scalar_prefetch = 0 : i64, scratch_operands = 16 : i64, tpu.core_type = #tpu.core_type<sc_vector_subcore>, window_params = [{transform_indices = #map}, {transform_indices = #map}, {transform_indices = #map}, {transform_indices = #map}, {transform_indices = #map}]} {
    %mul3A = arith.constant 576 : i32
    %mul3A_0 = arith.muli %arg1, %mul3A : i32
    %iota3A = tpu.iota {dimensions = array<i32: 0>} : vector<16xi32>
    %convert_element_type3A = arith.sitofp %iota3A : vector<16xi32> to vector<16xf32>
    %mul3A_1 = arith.constant 36864 : i32
    %mul3A_2 = arith.muli %arg0, %mul3A_1 : i32
    %add3A = arith.constant 0 : i32
    %add3A_3 = arith.addi %mul3A_2, %add3A : i32
    "tpu.region"() ({
      %run_scoped3A = tpu.sem_alloc : memref<!tpu.dma_semaphore, #tpu.memory_space<semaphore_mem>>
      %dma_start3A = tpu.memref_slice %arg2[%add3A_3] : memref<73728xf32, #tpu.memory_space<hbm>> -> memref<9216xf32, #tpu.memory_space<hbm>>
      %dma_start3A_52 = tpu.memref_slice %arg2[%add3A_3] : memref<73728xf32, #tpu.memory_space<hbm>> -> memref<9216xf32, #tpu.memory_space<hbm>>
      tpu.enqueue_dma source(%dma_start3A_52 : memref<9216xf32, #tpu.memory_space<hbm>>) target(%arg7 : memref<9216xf32, #tpu.memory_space<vmem>>) target_semaphore(%run_scoped3A : memref<!tpu.dma_semaphore, #tpu.memory_space<semaphore_mem>>)
      %dma_wait3A = tpu.memref_slice %arg2[%add3A_3] : memref<73728xf32, #tpu.memory_space<hbm>> -> memref<9216xf32, #tpu.memory_space<hbm>>
      %dma_wait3A_53 = tpu.memref_slice %arg2[%add3A_3] : memref<73728xf32, #tpu.memory_space<hbm>> -> memref<9216xf32, #tpu.memory_space<hbm>>
      tpu.wait_dma2 semaphore(%run_scoped3A : memref<!tpu.dma_semaphore, #tpu.memory_space<semaphore_mem>>) src(%dma_wait3A_53 : memref<9216xf32, #tpu.memory_space<hbm>>) dst(%arg7 : memref<9216xf32, #tpu.memory_space<vmem>>)
      tpu.yield
    }) : () -> ()
    %add3A_4 = arith.constant 9216 : i32
    %add3A_5 = arith.addi %mul3A_2, %add3A_4 : i32
    "tpu.region"() ({
      %run_scoped3A = tpu.sem_alloc : memref<!tpu.dma_semaphore, #tpu.memory_space<semaphore_mem>>
      %dma_start3A = tpu.memref_slice %arg2[%add3A_5] : memref<73728xf32, #tpu.memory_space<hbm>> -> memref<9216xf32, #tpu.memory_space<hbm>>
      %dma_start3A_52 = tpu.memref_slice %arg2[%add3A_5] : memref<73728xf32, #tpu.memory_space<hbm>> -> memref<9216xf32, #tpu.memory_space<hbm>>
      tpu.enqueue_dma source(%dma_start3A_52 : memref<9216xf32, #tpu.memory_space<hbm>>) target(%arg8 : memref<9216xf32, #tpu.memory_space<vmem>>) target_semaphore(%run_scoped3A : memref<!tpu.dma_semaphore, #tpu.memory_space<semaphore_mem>>)
      %dma_wait3A = tpu.memref_slice %arg2[%add3A_5] : memref<73728xf32, #tpu.memory_space<hbm>> -> memref<9216xf32, #tpu.memory_space<hbm>>
      %dma_wait3A_53 = tpu.memref_slice %arg2[%add3A_5] : memref<73728xf32, #tpu.memory_space<hbm>> -> memref<9216xf32, #tpu.memory_space<hbm>>
      tpu.wait_dma2 semaphore(%run_scoped3A : memref<!tpu.dma_semaphore, #tpu.memory_space<semaphore_mem>>) src(%dma_wait3A_53 : memref<9216xf32, #tpu.memory_space<hbm>>) dst(%arg8 : memref<9216xf32, #tpu.memory_space<vmem>>)
      tpu.yield
    }) : () -> ()
    %add3A_6 = arith.constant 18432 : i32
    %add3A_7 = arith.addi %mul3A_2, %add3A_6 : i32
    "tpu.region"() ({
      %run_scoped3A = tpu.sem_alloc : memref<!tpu.dma_semaphore, #tpu.memory_space<semaphore_mem>>
      %dma_start3A = tpu.memref_slice %arg2[%add3A_7] : memref<73728xf32, #tpu.memory_space<hbm>> -> memref<9216xf32, #tpu.memory_space<hbm>>
      %dma_start3A_52 = tpu.memref_slice %arg2[%add3A_7] : memref<73728xf32, #tpu.memory_space<hbm>> -> memref<9216xf32, #tpu.memory_space<hbm>>
      tpu.enqueue_dma source(%dma_start3A_52 : memref<9216xf32, #tpu.memory_space<hbm>>) target(%arg9 : memref<9216xf32, #tpu.memory_space<vmem>>) target_semaphore(%run_scoped3A : memref<!tpu.dma_semaphore, #tpu.memory_space<semaphore_mem>>)
      %dma_wait3A = tpu.memref_slice %arg2[%add3A_7] : memref<73728xf32, #tpu.memory_space<hbm>> -> memref<9216xf32, #tpu.memory_space<hbm>>
      %dma_wait3A_53 = tpu.memref_slice %arg2[%add3A_7] : memref<73728xf32, #tpu.memory_space<hbm>> -> memref<9216xf32, #tpu.memory_space<hbm>>
      tpu.wait_dma2 semaphore(%run_scoped3A : memref<!tpu.dma_semaphore, #tpu.memory_space<semaphore_mem>>) src(%dma_wait3A_53 : memref<9216xf32, #tpu.memory_space<hbm>>) dst(%arg9 : memref<9216xf32, #tpu.memory_space<vmem>>)
      tpu.yield
    }) : () -> ()
    %add3A_8 = arith.constant 27648 : i32
    %add3A_9 = arith.addi %mul3A_2, %add3A_8 : i32
    "tpu.region"() ({
      %run_scoped3A = tpu.sem_alloc : memref<!tpu.dma_semaphore, #tpu.memory_space<semaphore_mem>>
      %dma_start3A = tpu.memref_slice %arg2[%add3A_9] : memref<73728xf32, #tpu.memory_space<hbm>> -> memref<9216xf32, #tpu.memory_space<hbm>>
      %dma_start3A_52 = tpu.memref_slice %arg2[%add3A_9] : memref<73728xf32, #tpu.memory_space<hbm>> -> memref<9216xf32, #tpu.memory_space<hbm>>
      tpu.enqueue_dma source(%dma_start3A_52 : memref<9216xf32, #tpu.memory_space<hbm>>) target(%arg10 : memref<9216xf32, #tpu.memory_space<vmem>>) target_semaphore(%run_scoped3A : memref<!tpu.dma_semaphore, #tpu.memory_space<semaphore_mem>>)
      %dma_wait3A = tpu.memref_slice %arg2[%add3A_9] : memref<73728xf32, #tpu.memory_space<hbm>> -> memref<9216xf32, #tpu.memory_space<hbm>>
      %dma_wait3A_53 = tpu.memref_slice %arg2[%add3A_9] : memref<73728xf32, #tpu.memory_space<hbm>> -> memref<9216xf32, #tpu.memory_space<hbm>>
      tpu.wait_dma2 semaphore(%run_scoped3A : memref<!tpu.dma_semaphore, #tpu.memory_space<semaphore_mem>>) src(%dma_wait3A_53 : memref<9216xf32, #tpu.memory_space<hbm>>) dst(%arg10 : memref<9216xf32, #tpu.memory_space<vmem>>)
      tpu.yield
    }) : () -> ()
    "tpu.region"() ({
      %run_scoped3A = tpu.sem_alloc : memref<!tpu.dma_semaphore, #tpu.memory_space<semaphore_mem>>
      %dma_start3A = arith.constant 0 : i32
      %dma_start3A_52 = tpu.memref_slice %arg3[%dma_start3A] : memref<36864xf32, #tpu.memory_space<hbm>> -> memref<9216xf32, #tpu.memory_space<hbm>>
      %dma_start3A_53 = arith.constant 0 : i32
      %dma_start3A_54 = tpu.memref_slice %arg3[%dma_start3A_53] : memref<36864xf32, #tpu.memory_space<hbm>> -> memref<9216xf32, #tpu.memory_space<hbm>>
      tpu.enqueue_dma source(%dma_start3A_54 : memref<9216xf32, #tpu.memory_space<hbm>>) target(%arg11 : memref<9216xf32, #tpu.memory_space<vmem>>) target_semaphore(%run_scoped3A : memref<!tpu.dma_semaphore, #tpu.memory_space<semaphore_mem>>)
      %dma_wait3A = arith.constant 0 : i32
      %dma_wait3A_55 = tpu.memref_slice %arg3[%dma_wait3A] : memref<36864xf32, #tpu.memory_space<hbm>> -> memref<9216xf32, #tpu.memory_space<hbm>>
      %dma_wait3A_56 = arith.constant 0 : i32
      %dma_wait3A_57 = tpu.memref_slice %arg3[%dma_wait3A_56] : memref<36864xf32, #tpu.memory_space<hbm>> -> memref<9216xf32, #tpu.memory_space<hbm>>
      tpu.wait_dma2 semaphore(%run_scoped3A : memref<!tpu.dma_semaphore, #tpu.memory_space<semaphore_mem>>) src(%dma_wait3A_57 : memref<9216xf32, #tpu.memory_space<hbm>>) dst(%arg11 : memref<9216xf32, #tpu.memory_space<vmem>>)
      tpu.yield
    }) : () -> ()
    "tpu.region"() ({
      %run_scoped3A = tpu.sem_alloc : memref<!tpu.dma_semaphore, #tpu.memory_space<semaphore_mem>>
      %dma_start3A = arith.constant 9216 : i32
      %dma_start3A_52 = tpu.memref_slice %arg3[%dma_start3A] : memref<36864xf32, #tpu.memory_space<hbm>> -> memref<9216xf32, #tpu.memory_space<hbm>>
      %dma_start3A_53 = arith.constant 9216 : i32
      %dma_start3A_54 = tpu.memref_slice %arg3[%dma_start3A_53] : memref<36864xf32, #tpu.memory_space<hbm>> -> memref<9216xf32, #tpu.memory_space<hbm>>
      tpu.enqueue_dma source(%dma_start3A_54 : memref<9216xf32, #tpu.memory_space<hbm>>) target(%arg12 : memref<9216xf32, #tpu.memory_space<vmem>>) target_semaphore(%run_scoped3A : memref<!tpu.dma_semaphore, #tpu.memory_space<semaphore_mem>>)
      %dma_wait3A = arith.constant 9216 : i32
      %dma_wait3A_55 = tpu.memref_slice %arg3[%dma_wait3A] : memref<36864xf32, #tpu.memory_space<hbm>> -> memref<9216xf32, #tpu.memory_space<hbm>>
      %dma_wait3A_56 = arith.constant 9216 : i32
      %dma_wait3A_57 = tpu.memref_slice %arg3[%dma_wait3A_56] : memref<36864xf32, #tpu.memory_space<hbm>> -> memref<9216xf32, #tpu.memory_space<hbm>>
      tpu.wait_dma2 semaphore(%run_scoped3A : memref<!tpu.dma_semaphore, #tpu.memory_space<semaphore_mem>>) src(%dma_wait3A_57 : memref<9216xf32, #tpu.memory_space<hbm>>) dst(%arg12 : memref<9216xf32, #tpu.memory_space<vmem>>)
      tpu.yield
    }) : () -> ()
    "tpu.region"() ({
      %run_scoped3A = tpu.sem_alloc : memref<!tpu.dma_semaphore, #tpu.memory_space<semaphore_mem>>
      %dma_start3A = arith.constant 18432 : i32
      %dma_start3A_52 = tpu.memref_slice %arg3[%dma_start3A] : memref<36864xf32, #tpu.memory_space<hbm>> -> memref<9216xf32, #tpu.memory_space<hbm>>
      %dma_start3A_53 = arith.constant 18432 : i32
      %dma_start3A_54 = tpu.memref_slice %arg3[%dma_start3A_53] : memref<36864xf32, #tpu.memory_space<hbm>> -> memref<9216xf32, #tpu.memory_space<hbm>>
      tpu.enqueue_dma source(%dma_start3A_54 : memref<9216xf32, #tpu.memory_space<hbm>>) target(%arg13 : memref<9216xf32, #tpu.memory_space<vmem>>) target_semaphore(%run_scoped3A : memref<!tpu.dma_semaphore, #tpu.memory_space<semaphore_mem>>)
      %dma_wait3A = arith.constant 18432 : i32
      %dma_wait3A_55 = tpu.memref_slice %arg3[%dma_wait3A] : memref<36864xf32, #tpu.memory_space<hbm>> -> memref<9216xf32, #tpu.memory_space<hbm>>
      %dma_wait3A_56 = arith.constant 18432 : i32
      %dma_wait3A_57 = tpu.memref_slice %arg3[%dma_wait3A_56] : memref<36864xf32, #tpu.memory_space<hbm>> -> memref<9216xf32, #tpu.memory_space<hbm>>
      tpu.wait_dma2 semaphore(%run_scoped3A : memref<!tpu.dma_semaphore, #tpu.memory_space<semaphore_mem>>) src(%dma_wait3A_57 : memref<9216xf32, #tpu.memory_space<hbm>>) dst(%arg13 : memref<9216xf32, #tpu.memory_space<vmem>>)
      tpu.yield
    }) : () -> ()
    "tpu.region"() ({
      %run_scoped3A = tpu.sem_alloc : memref<!tpu.dma_semaphore, #tpu.memory_space<semaphore_mem>>
      %dma_start3A = arith.constant 27648 : i32
      %dma_start3A_52 = tpu.memref_slice %arg3[%dma_start3A] : memref<36864xf32, #tpu.memory_space<hbm>> -> memref<9216xf32, #tpu.memory_space<hbm>>
      %dma_start3A_53 = arith.constant 27648 : i32
      %dma_start3A_54 = tpu.memref_slice %arg3[%dma_start3A_53] : memref<36864xf32, #tpu.memory_space<hbm>> -> memref<9216xf32, #tpu.memory_space<hbm>>
      tpu.enqueue_dma source(%dma_start3A_54 : memref<9216xf32, #tpu.memory_space<hbm>>) target(%arg14 : memref<9216xf32, #tpu.memory_space<vmem>>) target_semaphore(%run_scoped3A : memref<!tpu.dma_semaphore, #tpu.memory_space<semaphore_mem>>)
      %dma_wait3A = arith.constant 27648 : i32
      %dma_wait3A_55 = tpu.memref_slice %arg3[%dma_wait3A] : memref<36864xf32, #tpu.memory_space<hbm>> -> memref<9216xf32, #tpu.memory_space<hbm>>
      %dma_wait3A_56 = arith.constant 27648 : i32
      %dma_wait3A_57 = tpu.memref_slice %arg3[%dma_wait3A_56] : memref<36864xf32, #tpu.memory_space<hbm>> -> memref<9216xf32, #tpu.memory_space<hbm>>
      tpu.wait_dma2 semaphore(%run_scoped3A : memref<!tpu.dma_semaphore, #tpu.memory_space<semaphore_mem>>) src(%dma_wait3A_57 : memref<9216xf32, #tpu.memory_space<hbm>>) dst(%arg14 : memref<9216xf32, #tpu.memory_space<vmem>>)
      tpu.yield
    }) : () -> ()
    %mul3A_10 = arith.constant 9216 : i32
    %mul3A_11 = arith.muli %arg0, %mul3A_10 : i32
    "tpu.region"() ({
      %run_scoped3A = tpu.sem_alloc : memref<!tpu.dma_semaphore, #tpu.memory_space<semaphore_mem>>
      %dma_start3A = tpu.memref_slice %arg4[%mul3A_11] : memref<18432xf32, #tpu.memory_space<hbm>> -> memref<9216xf32, #tpu.memory_space<hbm>>
      %dma_start3A_52 = tpu.memref_slice %arg4[%mul3A_11] : memref<18432xf32, #tpu.memory_space<hbm>> -> memref<9216xf32, #tpu.memory_space<hbm>>
      tpu.enqueue_dma source(%dma_start3A_52 : memref<9216xf32, #tpu.memory_space<hbm>>) target(%arg15 : memref<9216xf32, #tpu.memory_space<vmem>>) target_semaphore(%run_scoped3A : memref<!tpu.dma_semaphore, #tpu.memory_space<semaphore_mem>>)
      %dma_wait3A = tpu.memref_slice %arg4[%mul3A_11] : memref<18432xf32, #tpu.memory_space<hbm>> -> memref<9216xf32, #tpu.memory_space<hbm>>
      %dma_wait3A_53 = tpu.memref_slice %arg4[%mul3A_11] : memref<18432xf32, #tpu.memory_space<hbm>> -> memref<9216xf32, #tpu.memory_space<hbm>>
      tpu.wait_dma2 semaphore(%run_scoped3A : memref<!tpu.dma_semaphore, #tpu.memory_space<semaphore_mem>>) src(%dma_wait3A_53 : memref<9216xf32, #tpu.memory_space<hbm>>) dst(%arg15 : memref<9216xf32, #tpu.memory_space<vmem>>)
      tpu.yield
    }) : () -> ()
    %scan3A = arith.constant 0 : i32
    %scan3A_12 = arith.constant 0 : i32
    %scan3A_13 = arith.constant 576 : i32
    %scan3A_14 = arith.addi %scan3A_12, %scan3A_13 : i32
    %scan3A_15 = arith.constant 1 : i32
    %scan3A_16 = scf.for %scan3A_52 = %scan3A_12 to %scan3A_14 step %scan3A_15 iter_args(%scan3A_53 = %scan3A) -> (i32)  : i32 {
      %mul3A_54 = arith.constant 16 : i32
      %mul3A_55 = arith.muli %scan3A_52, %mul3A_54 : i32
      %get3A = arith.index_cast %mul3A_55 : i32 to index
      %get3A_56 = tpu.vector_load %arg7[%get3A] {strides = array<i32>} : memref<9216xf32, #tpu.memory_space<vmem>>, vector<16xf32>,
      %get3A_57 = arith.index_cast %mul3A_55 : i32 to index
      %get3A_58 = tpu.vector_load %arg8[%get3A_57] {strides = array<i32>} : memref<9216xf32, #tpu.memory_space<vmem>>, vector<16xf32>,
      %get3A_59 = arith.index_cast %mul3A_55 : i32 to index
      %get3A_60 = tpu.vector_load %arg9[%get3A_59] {strides = array<i32>} : memref<9216xf32, #tpu.memory_space<vmem>>, vector<16xf32>,
      %get3A_61 = arith.index_cast %mul3A_55 : i32 to index
      %get3A_62 = tpu.vector_load %arg10[%get3A_61] {strides = array<i32>} : memref<9216xf32, #tpu.memory_space<vmem>>, vector<16xf32>,
      %get3A_63 = arith.index_cast %mul3A_55 : i32 to index
      %get3A_64 = tpu.vector_load %arg11[%get3A_63] {strides = array<i32>} : memref<9216xf32, #tpu.memory_space<vmem>>, vector<16xf32>,
      %get3A_65 = arith.index_cast %mul3A_55 : i32 to index
      %get3A_66 = tpu.vector_load %arg12[%get3A_65] {strides = array<i32>} : memref<9216xf32, #tpu.memory_space<vmem>>, vector<16xf32>,
      %get3A_67 = arith.index_cast %mul3A_55 : i32 to index
      %get3A_68 = tpu.vector_load %arg13[%get3A_67] {strides = array<i32>} : memref<9216xf32, #tpu.memory_space<vmem>>, vector<16xf32>,
      %get3A_69 = arith.index_cast %mul3A_55 : i32 to index
      %get3A_70 = tpu.vector_load %arg14[%get3A_69] {strides = array<i32>} : memref<9216xf32, #tpu.memory_space<vmem>>, vector<16xf32>,
      %get3A_71 = arith.index_cast %mul3A_55 : i32 to index
      %get3A_72 = tpu.vector_load %arg15[%get3A_71] {strides = array<i32>} : memref<9216xf32, #tpu.memory_space<vmem>>, vector<16xf32>,
      %mul3A_73 = arith.mulf %get3A_56, %get3A_64 : vector<16xf32>
      %add3A_74 = arith.addf %mul3A_73, %get3A_68 : vector<16xf32>
      %mul3A_75 = arith.mulf %get3A_58, %get3A_66 : vector<16xf32>
      %add3A_76 = arith.addf %mul3A_75, %get3A_70 : vector<16xf32>
      %min3A = arith.constant 4.13516665 : f32
      %min3A_77 = vector.broadcast %min3A : f32 to vector<16xf32>
      %min3A_78 = arith.minimumf %get3A_60, %min3A_77 : vector<16xf32>
      %exp3A = math.exp %min3A_78 : vector<16xf32>
      %mul3A_79 = arith.mulf %exp3A, %get3A_64 : vector<16xf32>
      %min3A_80 = arith.constant 4.13516665 : f32
      %min3A_81 = vector.broadcast %min3A_80 : f32 to vector<16xf32>
      %min3A_82 = arith.minimumf %get3A_62, %min3A_81 : vector<16xf32>
      %exp3A_83 = math.exp %min3A_82 : vector<16xf32>
      %mul3A_84 = arith.mulf %exp3A_83, %get3A_66 : vector<16xf32>
      %mul3A_85 = arith.constant 5.000000e-01 : f32
      %mul3A_86 = vector.broadcast %mul3A_85 : f32 to vector<16xf32>
      %mul3A_87 = arith.mulf %mul3A_86, %mul3A_79 : vector<16xf32>
      %sub3A = arith.subf %add3A_74, %mul3A_87 : vector<16xf32>
      %mul3A_88 = arith.constant 5.000000e-01 : f32
      %mul3A_89 = vector.broadcast %mul3A_88 : f32 to vector<16xf32>
      %mul3A_90 = arith.mulf %mul3A_89, %mul3A_84 : vector<16xf32>
      %sub3A_91 = arith.subf %add3A_76, %mul3A_90 : vector<16xf32>
      %mul3A_92 = arith.constant 5.000000e-01 : f32
      %mul3A_93 = vector.broadcast %mul3A_92 : f32 to vector<16xf32>
      %mul3A_94 = arith.mulf %mul3A_93, %mul3A_79 : vector<16xf32>
      %add3A_95 = arith.addf %add3A_74, %mul3A_94 : vector<16xf32>
      %mul3A_96 = arith.constant 5.000000e-01 : f32
      %mul3A_97 = vector.broadcast %mul3A_96 : f32 to vector<16xf32>
      %mul3A_98 = arith.mulf %mul3A_97, %mul3A_84 : vector<16xf32>
      %add3A_99 = arith.addf %add3A_76, %mul3A_98 : vector<16xf32>
      %max3A = arith.constant 0.000000e+00 : f32
      %max3A_100 = vector.broadcast %max3A : f32 to vector<16xf32>
      %max3A_101 = arith.maximumf %sub3A, %max3A_100 : vector<16xf32>
      %min3A_102 = arith.constant 5.120000e+02 : f32
      %min3A_103 = vector.broadcast %min3A_102 : f32 to vector<16xf32>
      %min3A_104 = arith.minimumf %max3A_101, %min3A_103 : vector<16xf32>
      %max3A_105 = arith.constant 0.000000e+00 : f32
      %max3A_106 = vector.broadcast %max3A_105 : f32 to vector<16xf32>
      %max3A_107 = arith.maximumf %sub3A_91, %max3A_106 : vector<16xf32>
      %min3A_108 = arith.constant 5.120000e+02 : f32
      %min3A_109 = vector.broadcast %min3A_108 : f32 to vector<16xf32>
      %min3A_110 = arith.minimumf %max3A_107, %min3A_109 : vector<16xf32>
      %max3A_111 = arith.constant 0.000000e+00 : f32
      %max3A_112 = vector.broadcast %max3A_111 : f32 to vector<16xf32>
      %max3A_113 = arith.maximumf %add3A_95, %max3A_112 : vector<16xf32>
      %min3A_114 = arith.constant 5.120000e+02 : f32
      %min3A_115 = vector.broadcast %min3A_114 : f32 to vector<16xf32>
      %min3A_116 = arith.minimumf %max3A_113, %min3A_115 : vector<16xf32>
      %max3A_117 = arith.constant 0.000000e+00 : f32
      %max3A_118 = vector.broadcast %max3A_117 : f32 to vector<16xf32>
      %max3A_119 = arith.maximumf %add3A_99, %max3A_118 : vector<16xf32>
      %min3A_120 = arith.constant 5.120000e+02 : f32
      %min3A_121 = vector.broadcast %min3A_120 : f32 to vector<16xf32>
      %min3A_122 = arith.minimumf %max3A_119, %min3A_121 : vector<16xf32>
      %sub3A_123 = arith.subf %min3A_116, %min3A_104 : vector<16xf32>
      %sub3A_124 = arith.subf %min3A_122, %min3A_110 : vector<16xf32>
      %ge3A = arith.constant 0.00999999977 : f32
      %ge3A_125 = vector.broadcast %ge3A : f32 to vector<16xf32>
      %ge3A_126 = arith.cmpf oge, %sub3A_123, %ge3A_125 : vector<16xf32>
      %ge3A_127 = arith.constant 0.00999999977 : f32
      %ge3A_128 = vector.broadcast %ge3A_127 : f32 to vector<16xf32>
      %ge3A_129 = arith.cmpf oge, %sub3A_124, %ge3A_128 : vector<16xf32>
      %and3A = arith.andi %ge3A_126, %ge3A_129 : vector<16xi1>
      %max3A_130 = arith.constant 0.000000e+00 : f32
      %max3A_131 = vector.broadcast %max3A_130 : f32 to vector<16xf32>
      %max3A_132 = arith.maximumf %sub3A_123, %max3A_131 : vector<16xf32>
      %max3A_133 = arith.constant 0.000000e+00 : f32
      %max3A_134 = vector.broadcast %max3A_133 : f32 to vector<16xf32>
      %max3A_135 = arith.maximumf %sub3A_124, %max3A_134 : vector<16xf32>
      %mul3A_136 = arith.mulf %max3A_132, %max3A_135 : vector<16xf32>
      %mul3A_137 = arith.constant 16 : i32
      %mul3A_138 = arith.muli %scan3A_52, %mul3A_137 : i32
      %add3A_139 = vector.broadcast %mul3A_138 : i32 to vector<16xi32>
      %add3A_140 = arith.addi %add3A_139, %iota3A : vector<16xi32>
      %convert_element_type3A_141 = arith.sitofp %add3A_140 : vector<16xi32> to vector<16xf32>
      %jit3A = arith.constant -1.000000e+30 : f32
      %broadcast_in_dim3A_142 = vector.broadcast %jit3A : f32 to vector<16xf32>
      %select_n3A = arith.select %and3A, %get3A_72, %broadcast_in_dim3A_142 : vector<16xi1>, vector<16xf32>
      %add3A_143 = arith.constant 2.000000e+00 : f32
      %add3A_144 = vector.broadcast %add3A_143 : f32 to vector<16xf32>
      %add3A_145 = arith.addf %add3A_144, %convert_element_type3A_141 : vector<16xf32>
      %neg3A = arith.constant 0.000000e+00 : f32
      %neg3A_146 = vector.broadcast %neg3A : f32 to vector<16xf32>
      %neg3A_147 = arith.subf %neg3A_146, %add3A_145 : vector<16xf32>
      %jit3A_148 = arith.constant -1.000000e+30 : f32
      %broadcast_in_dim3A_149 = vector.broadcast %jit3A_148 : f32 to vector<16xf32>
      %select_n3A_150 = arith.select %and3A, %broadcast_in_dim3A_149, %neg3A_147 : vector<16xi1>, vector<16xf32>
      %swap3A_151 = arith.index_cast %mul3A_55 : i32 to index
      %swap3A_152 = tpu.vector_load %arg7[%swap3A_151] {strides = array<i32>} : memref<9216xf32, #tpu.memory_space<vmem>>, vector<16xf32>,
      tpu.vector_store %arg7[%swap3A_151], %min3A_104 {strides = array<i32>} : memref<9216xf32, #tpu.memory_space<vmem>>, vector<16xf32>,
      %swap3A_153 = arith.index_cast %mul3A_55 : i32 to index
      %swap3A_154 = tpu.vector_load %arg8[%swap3A_153] {strides = array<i32>} : memref<9216xf32, #tpu.memory_space<vmem>>, vector<16xf32>,
      tpu.vector_store %arg8[%swap3A_153], %min3A_110 {strides = array<i32>} : memref<9216xf32, #tpu.memory_space<vmem>>, vector<16xf32>,
      %swap3A_155 = arith.index_cast %mul3A_55 : i32 to index
      %swap3A_156 = tpu.vector_load %arg9[%swap3A_155] {strides = array<i32>} : memref<9216xf32, #tpu.memory_space<vmem>>, vector<16xf32>,
      tpu.vector_store %arg9[%swap3A_155], %min3A_116 {strides = array<i32>} : memref<9216xf32, #tpu.memory_space<vmem>>, vector<16xf32>,
      %swap3A_157 = arith.index_cast %mul3A_55 : i32 to index
      %swap3A_158 = tpu.vector_load %arg10[%swap3A_157] {strides = array<i32>} : memref<9216xf32, #tpu.memory_space<vmem>>, vector<16xf32>,
      tpu.vector_store %arg10[%swap3A_157], %min3A_122 {strides = array<i32>} : memref<9216xf32, #tpu.memory_space<vmem>>, vector<16xf32>,
      %swap3A_159 = arith.index_cast %mul3A_55 : i32 to index
      %swap3A_160 = tpu.vector_load %arg11[%swap3A_159] {strides = array<i32>} : memref<9216xf32, #tpu.memory_space<vmem>>, vector<16xf32>,
      tpu.vector_store %arg11[%swap3A_159], %mul3A_136 {strides = array<i32>} : memref<9216xf32, #tpu.memory_space<vmem>>, vector<16xf32>,
      %swap3A_161 = arith.index_cast %mul3A_55 : i32 to index
      %swap3A_162 = tpu.vector_load %arg12[%swap3A_161] {strides = array<i32>} : memref<9216xf32, #tpu.memory_space<vmem>>, vector<16xf32>,
      tpu.vector_store %arg12[%swap3A_161], %select_n3A {strides = array<i32>} : memref<9216xf32, #tpu.memory_space<vmem>>, vector<16xf32>,
      %swap3A_163 = arith.index_cast %mul3A_55 : i32 to index
      %swap3A_164 = tpu.vector_load %arg13[%swap3A_163] {strides = array<i32>} : memref<9216xf32, #tpu.memory_space<vmem>>, vector<16xf32>,
      tpu.vector_store %arg13[%swap3A_163], %select_n3A_150 {strides = array<i32>} : memref<9216xf32, #tpu.memory_space<vmem>>, vector<16xf32>,
      %scan3A_165 = arith.constant 0 : i32
      scf.yield %scan3A_165 : i32
    }
    %scan3A_17 = arith.constant 576 : i32
    %broadcast_in_dim3A = arith.constant 0 : i32
    %broadcast_in_dim3A_18 = vector.broadcast %broadcast_in_dim3A : i32 to vector<16xi32>
    %broadcast_in_dim3A_19 = arith.constant -1.000000e+30 : f32
    %broadcast_in_dim3A_20 = vector.broadcast %broadcast_in_dim3A_19 : f32 to vector<16xf32>
    %swap3A = arith.constant 0 : index
    %swap3A_21 = tpu.vector_load %arg20[%swap3A] {strides = array<i32>} : memref<16xf32, #tpu.memory_space<vmem>>, vector<16xf32>,
    tpu.vector_store %arg20[%swap3A], %broadcast_in_dim3A_20 {strides = array<i32>} : memref<16xf32, #tpu.memory_space<vmem>>, vector<16xf32>,
    %swap3A_22 = arith.constant 0 : index
    %swap3A_23 = tpu.vector_load %arg21[%swap3A_22] {strides = array<i32>} : memref<16xi32, #tpu.memory_space<vmem>>, vector<16xi32>,
    tpu.vector_store %arg21[%swap3A_22], %broadcast_in_dim3A_18 {strides = array<i32>} : memref<16xi32, #tpu.memory_space<vmem>>, vector<16xi32>,
    %scan3A_24 = arith.constant 0 : i32
    %scan3A_25 = arith.constant 0 : i32
    %scan3A_26 = arith.constant 36 : i32
    %scan3A_27 = arith.addi %scan3A_25, %scan3A_26 : i32
    %scan3A_28 = arith.constant 2 : i32
    %scan3A_29 = scf.for %scan3A_52 = %scan3A_25 to %scan3A_27 step %scan3A_28 iter_args(%scan3A_53 = %scan3A_24) -> (i32)  : i32 {
      %mul3A_54 = arith.constant 16 : i32
      %mul3A_55 = arith.muli %scan3A_52, %mul3A_54 : i32
      %add3A_56 = arith.addi %mul3A_0, %mul3A_55 : i32
      %get3A = arith.index_cast %add3A_56 : i32 to index
      %get3A_57 = tpu.vector_load %arg12[%get3A] {strides = array<i32>} : memref<9216xf32, #tpu.memory_space<vmem>>, vector<16xf32>,
      %mul3A_58 = arith.constant 16 : i32
      %mul3A_59 = arith.muli %scan3A_52, %mul3A_58 : i32
      %add3A_60 = arith.addi %mul3A_0, %mul3A_59 : i32
      %add3A_61 = vector.broadcast %add3A_60 : i32 to vector<16xi32>
      %add3A_62 = arith.addi %add3A_61, %iota3A : vector<16xi32>
      %get3A_63 = arith.constant 0 : index
      %get3A_64 = tpu.vector_load %arg20[%get3A_63] {strides = array<i32>} : memref<16xf32, #tpu.memory_space<vmem>>, vector<16xf32>,
      %gt3A = arith.cmpf ogt, %get3A_57, %get3A_64 : vector<16xf32>
      %select_n3A = arith.select %gt3A, %get3A_57, %get3A_64 : vector<16xi1>, vector<16xf32>
      %swap3A_65 = arith.constant 0 : index
      %swap3A_66 = tpu.vector_load %arg20[%swap3A_65] {strides = array<i32>} : memref<16xf32, #tpu.memory_space<vmem>>, vector<16xf32>,
      tpu.vector_store %arg20[%swap3A_65], %select_n3A {strides = array<i32>} : memref<16xf32, #tpu.memory_space<vmem>>, vector<16xf32>,
      %get3A_67 = arith.constant 0 : index
      %get3A_68 = tpu.vector_load %arg21[%get3A_67] {strides = array<i32>} : memref<16xi32, #tpu.memory_space<vmem>>, vector<16xi32>,
      %select_n3A_69 = arith.select %gt3A, %add3A_62, %get3A_68 : vector<16xi1>, vector<16xi32>
      %swap3A_70 = arith.constant 0 : index
      %swap3A_71 = tpu.vector_load %arg21[%swap3A_70] {strides = array<i32>} : memref<16xi32, #tpu.memory_space<vmem>>, vector<16xi32>,
      tpu.vector_store %arg21[%swap3A_70], %select_n3A_69 {strides = array<i32>} : memref<16xi32, #tpu.memory_space<vmem>>, vector<16xi32>,
      %scan3A_72 = arith.constant 0 : i32
      %scan3A_73 = arith.constant 1 : i32
      %scan3A_74 = arith.addi %scan3A_52, %scan3A_73 : i32
      %mul3A_75 = arith.constant 16 : i32
      %mul3A_76 = arith.muli %scan3A_74, %mul3A_75 : i32
      %add3A_77 = arith.addi %mul3A_0, %mul3A_76 : i32
      %get3A_78 = arith.index_cast %add3A_77 : i32 to index
      %get3A_79 = tpu.vector_load %arg12[%get3A_78] {strides = array<i32>} : memref<9216xf32, #tpu.memory_space<vmem>>, vector<16xf32>,
      %mul3A_80 = arith.constant 16 : i32
      %mul3A_81 = arith.muli %scan3A_74, %mul3A_80 : i32
      %add3A_82 = arith.addi %mul3A_0, %mul3A_81 : i32
      %add3A_83 = vector.broadcast %add3A_82 : i32 to vector<16xi32>
      %add3A_84 = arith.addi %add3A_83, %iota3A : vector<16xi32>
      %get3A_85 = arith.constant 0 : index
      %get3A_86 = tpu.vector_load %arg20[%get3A_85] {strides = array<i32>} : memref<16xf32, #tpu.memory_space<vmem>>, vector<16xf32>,
      %gt3A_87 = arith.cmpf ogt, %get3A_79, %get3A_86 : vector<16xf32>
      %select_n3A_88 = arith.select %gt3A_87, %get3A_79, %get3A_86 : vector<16xi1>, vector<16xf32>
      %swap3A_89 = arith.constant 0 : index
      %swap3A_90 = tpu.vector_load %arg20[%swap3A_89] {strides = array<i32>} : memref<16xf32, #tpu.memory_space<vmem>>, vector<16xf32>,
      tpu.vector_store %arg20[%swap3A_89], %select_n3A_88 {strides = array<i32>} : memref<16xf32, #tpu.memory_space<vmem>>, vector<16xf32>,
      %get3A_91 = arith.constant 0 : index
      %get3A_92 = tpu.vector_load %arg21[%get3A_91] {strides = array<i32>} : memref<16xi32, #tpu.memory_space<vmem>>, vector<16xi32>,
      %select_n3A_93 = arith.select %gt3A_87, %add3A_84, %get3A_92 : vector<16xi1>, vector<16xi32>
      %swap3A_94 = arith.constant 0 : index
      %swap3A_95 = tpu.vector_load %arg21[%swap3A_94] {strides = array<i32>} : memref<16xi32, #tpu.memory_space<vmem>>, vector<16xi32>,
      tpu.vector_store %arg21[%swap3A_94], %select_n3A_93 {strides = array<i32>} : memref<16xi32, #tpu.memory_space<vmem>>, vector<16xi32>,
      %scan3A_96 = arith.constant 0 : i32
      scf.yield %scan3A_96 : i32
    }
    %scan3A_30 = arith.constant 36 : i32
    %swap3A_31 = arith.constant 0 : index
    %swap3A_32 = tpu.vector_load %arg17[%swap3A_31] {strides = array<i32>} : memref<16xf32, #tpu.memory_space<vmem>>, vector<16xf32>,
    tpu.vector_store %arg17[%swap3A_31], %broadcast_in_dim3A_20 {strides = array<i32>} : memref<16xf32, #tpu.memory_space<vmem>>, vector<16xf32>,
    %mul3A_33 = arith.constant 8 : i32
    %mul3A_34 = arith.muli %arg1, %mul3A_33 : i32
    %add3A_35 = arith.constant 0 : i32
    %add3A_36 = arith.addi %add3A_35, %mul3A_34 : i32
    "tpu.region"() ({
      %run_scoped3A = tpu.sem_alloc : memref<!tpu.dma_semaphore, #tpu.memory_space<semaphore_mem>>
      %dma_start3A = arith.constant 0 : i32
      %dma_start3A_52 = tpu.memref_slice %arg17[%dma_start3A] : memref<16xf32, #tpu.memory_space<vmem>> -> memref<8xf32, #tpu.memory_space<vmem>>
      %dma_start3A_53 = tpu.memref_slice %arg22[%add3A_36] : memref<256xf32, #tpu.memory_space<vmem_shared>> -> memref<8xf32, #tpu.memory_space<vmem_shared>>
      %dma_start3A_54 = tpu.memref_slice %arg22[%add3A_36] : memref<256xf32, #tpu.memory_space<vmem_shared>> -> memref<8xf32, #tpu.memory_space<vmem_shared>>
      %dma_start3A_55 = arith.constant 0 : i32
      %dma_start3A_56 = tpu.memref_slice %arg17[%dma_start3A_55] : memref<16xf32, #tpu.memory_space<vmem>> -> memref<8xf32, #tpu.memory_space<vmem>>
      tpu.enqueue_dma source(%dma_start3A_56 : memref<8xf32, #tpu.memory_space<vmem>>) target(%dma_start3A_54 : memref<8xf32, #tpu.memory_space<vmem_shared>>) target_semaphore(%run_scoped3A : memref<!tpu.dma_semaphore, #tpu.memory_space<semaphore_mem>>)
      %dma_wait3A = arith.constant 0 : i32
      %dma_wait3A_57 = tpu.memref_slice %arg17[%dma_wait3A] : memref<16xf32, #tpu.memory_space<vmem>> -> memref<8xf32, #tpu.memory_space<vmem>>
      %dma_wait3A_58 = tpu.memref_slice %arg22[%add3A_36] : memref<256xf32, #tpu.memory_space<vmem_shared>> -> memref<8xf32, #tpu.memory_space<vmem_shared>>
      %dma_wait3A_59 = tpu.memref_slice %arg22[%add3A_36] : memref<256xf32, #tpu.memory_space<vmem_shared>> -> memref<8xf32, #tpu.memory_space<vmem_shared>>
      %dma_wait3A_60 = arith.constant 0 : i32
      %dma_wait3A_61 = tpu.memref_slice %arg17[%dma_wait3A_60] : memref<16xf32, #tpu.memory_space<vmem>> -> memref<8xf32, #tpu.memory_space<vmem>>
      tpu.wait_dma2 semaphore(%run_scoped3A : memref<!tpu.dma_semaphore, #tpu.memory_space<semaphore_mem>>) src(%dma_wait3A_61 : memref<8xf32, #tpu.memory_space<vmem>>) dst(%dma_wait3A_59 : memref<8xf32, #tpu.memory_space<vmem_shared>>)
      tpu.yield
    }) : () -> ()
    %mul3A_37 = arith.constant 8 : i32
    %mul3A_38 = arith.muli %arg1, %mul3A_37 : i32
    %add3A_39 = arith.constant 128 : i32
    %add3A_40 = arith.addi %add3A_39, %mul3A_38 : i32
    "tpu.region"() ({
      %run_scoped3A = tpu.sem_alloc : memref<!tpu.dma_semaphore, #tpu.memory_space<semaphore_mem>>
      %dma_start3A = arith.constant 0 : i32
      %dma_start3A_52 = tpu.memref_slice %arg17[%dma_start3A] : memref<16xf32, #tpu.memory_space<vmem>> -> memref<8xf32, #tpu.memory_space<vmem>>
      %dma_start3A_53 = tpu.memref_slice %arg22[%add3A_40] : memref<256xf32, #tpu.memory_space<vmem_shared>> -> memref<8xf32, #tpu.memory_space<vmem_shared>>
      %dma_start3A_54 = tpu.memref_slice %arg22[%add3A_40] : memref<256xf32, #tpu.memory_space<vmem_shared>> -> memref<8xf32, #tpu.memory_space<vmem_shared>>
      %dma_start3A_55 = arith.constant 0 : i32
      %dma_start3A_56 = tpu.memref_slice %arg17[%dma_start3A_55] : memref<16xf32, #tpu.memory_space<vmem>> -> memref<8xf32, #tpu.memory_space<vmem>>
      tpu.enqueue_dma source(%dma_start3A_56 : memref<8xf32, #tpu.memory_space<vmem>>) target(%dma_start3A_54 : memref<8xf32, #tpu.memory_space<vmem_shared>>) target_semaphore(%run_scoped3A : memref<!tpu.dma_semaphore, #tpu.memory_space<semaphore_mem>>)
      %dma_wait3A = arith.constant 0 : i32
      %dma_wait3A_57 = tpu.memref_slice %arg17[%dma_wait3A] : memref<16xf32, #tpu.memory_space<vmem>> -> memref<8xf32, #tpu.memory_space<vmem>>
      %dma_wait3A_58 = tpu.memref_slice %arg22[%add3A_40] : memref<256xf32, #tpu.memory_space<vmem_shared>> -> memref<8xf32, #tpu.memory_space<vmem_shared>>
      %dma_wait3A_59 = tpu.memref_slice %arg22[%add3A_40] : memref<256xf32, #tpu.memory_space<vmem_shared>> -> memref<8xf32, #tpu.memory_space<vmem_shared>>
      %dma_wait3A_60 = arith.constant 0 : i32
      %dma_wait3A_61 = tpu.memref_slice %arg17[%dma_wait3A_60] : memref<16xf32, #tpu.memory_space<vmem>> -> memref<8xf32, #tpu.memory_space<vmem>>
      tpu.wait_dma2 semaphore(%run_scoped3A : memref<!tpu.dma_semaphore, #tpu.memory_space<semaphore_mem>>) src(%dma_wait3A_61 : memref<8xf32, #tpu.memory_space<vmem>>) dst(%dma_wait3A_59 : memref<8xf32, #tpu.memory_space<vmem_shared>>)
      tpu.yield
    }) : () -> ()
    %barrier3A = arith.constant 0 : index
    tpu.barrier barrier_id(%barrier3A)
    %scan3A_41 = arith.constant 0 : i32
    %scan3A_42 = arith.constant 0 : i32
    %scan3A_43 = arith.constant 0 : i32
    %scan3A_44 = arith.constant 1001 : i32
    %scan3A_45 = arith.addi %scan3A_43, %scan3A_44 : i32
    %scan3A_46 = arith.constant 1 : i32
    %scan3A_47:2 = scf.for %scan3A_52 = %scan3A_43 to %scan3A_45 step %scan3A_46 iter_args(%scan3A_53 = %scan3A_41, %scan3A_54 = %scan3A_42) -> (i32, i32)  : i32 {
      %rem3A = arith.constant 2 : i32
      %rem3A_55 = arith.remsi %scan3A_52, %rem3A : i32
      %eq3A_56 = arith.constant 0 : i32
      %eq3A_57 = arith.cmpi eq, %scan3A_54, %eq3A_56 : i32
      %get3A = arith.constant 0 : index
      %get3A_58 = tpu.vector_load %arg20[%get3A] {strides = array<i32>} : memref<16xf32, #tpu.memory_space<vmem>>, vector<16xf32>,
      %get3A_59 = arith.constant 0 : index
      %get3A_60 = tpu.vector_load %arg21[%get3A_59] {strides = array<i32>} : memref<16xi32, #tpu.memory_space<vmem>>, vector<16xi32>,
      %reduce_max3A = arith.constant true
      %reduce_max3A_61 = vector.broadcast %reduce_max3A : i1 to vector<16xi1>
      %reduce_max3A_62 = tpu.scan <max>, %get3A_58 masked %reduce_max3A_61 : vector<16xf32>, vector<16xi1> -> vector<16xf32>
      %reduce_max3A_63 = vector.extract %reduce_max3A_62[15] : f32 from vector<16xf32>
      %eq3A_64 = vector.broadcast %reduce_max3A_63 : f32 to vector<16xf32>
      %eq3A_65 = arith.cmpf oeq, %get3A_58, %eq3A_64 : vector<16xf32>
      %jit3A = arith.constant 1073741824 : i32
      %broadcast_in_dim3A_66 = vector.broadcast %jit3A : i32 to vector<16xi32>
      %select_n3A = arith.select %eq3A_65, %get3A_60, %broadcast_in_dim3A_66 : vector<16xi1>, vector<16xi32>
      %reduce_min3A = arith.constant true
      %reduce_min3A_67 = vector.broadcast %reduce_min3A : i1 to vector<16xi1>
      %reduce_min3A_68 = arith.constant -2147483648 : i32
      %reduce_min3A_69 = vector.broadcast %reduce_min3A_68 : i32 to vector<16xi32>
      %reduce_min3A_70 = arith.xori %select_n3A, %reduce_min3A_69 : vector<16xi32>
      %reduce_min3A_71 = tpu.scan <min>, %reduce_min3A_70 masked %reduce_min3A_67 : vector<16xi32>, vector<16xi1> -> vector<16xi32>
      %reduce_min3A_72 = arith.xori %reduce_min3A_71, %reduce_min3A_69 : vector<16xi32>
      %reduce_min3A_73 = vector.extract %reduce_min3A_72[15] : i32 from vector<16xi32>
      %broadcast_in_dim3A_74 = vector.broadcast %reduce_min3A_73 : i32 to vector<16xi32>
      %bitcast3A = vector.bitcast %broadcast_in_dim3A_74 : vector<16xi32> to vector<16xf32>
      %eq3A_75 = arith.constant 0 : i32
      %eq3A_76 = vector.broadcast %eq3A_75 : i32 to vector<16xi32>
      %eq3A_77 = arith.cmpi eq, %iota3A, %eq3A_76 : vector<16xi32>
      %broadcast_in_dim3A_78 = vector.broadcast %reduce_max3A_63 : f32 to vector<16xf32>
      %eq3A_79 = arith.constant 1 : i32
      %eq3A_80 = vector.broadcast %eq3A_79 : i32 to vector<16xi32>
      %eq3A_81 = arith.cmpi eq, %iota3A, %eq3A_80 : vector<16xi32>
      %jit3A_82 = arith.constant 0.000000e+00 : f32
      %broadcast_in_dim3A_83 = vector.broadcast %jit3A_82 : f32 to vector<16xf32>
      %select_n3A_84 = arith.select %eq3A_81, %bitcast3A, %broadcast_in_dim3A_83 : vector<16xi1>, vector<16xf32>
      %select_n3A_85 = arith.select %eq3A_77, %broadcast_in_dim3A_78, %select_n3A_84 : vector<16xi1>, vector<16xf32>
      %swap3A_86 = arith.constant 0 : index
      %swap3A_87 = tpu.vector_load %arg17[%swap3A_86] {strides = array<i32>} : memref<16xf32, #tpu.memory_space<vmem>>, vector<16xf32>,
      tpu.vector_store %arg17[%swap3A_86], %select_n3A_85 {strides = array<i32>} : memref<16xf32, #tpu.memory_space<vmem>>, vector<16xf32>,
      %mul3A_88 = arith.constant 128 : i32
      %mul3A_89 = arith.muli %rem3A_55, %mul3A_88 : i32
      %mul3A_90 = arith.constant 8 : i32
      %mul3A_91 = arith.muli %arg1, %mul3A_90 : i32
      %add3A_92 = arith.addi %mul3A_89, %mul3A_91 : i32
      "tpu.region"() ({
        %run_scoped3A = tpu.sem_alloc : memref<!tpu.dma_semaphore, #tpu.memory_space<semaphore_mem>>
        %dma_start3A = arith.constant 0 : i32
        %dma_start3A_150 = tpu.memref_slice %arg17[%dma_start3A] : memref<16xf32, #tpu.memory_space<vmem>> -> memref<8xf32, #tpu.memory_space<vmem>>
        %dma_start3A_151 = tpu.memref_slice %arg22[%add3A_92] : memref<256xf32, #tpu.memory_space<vmem_shared>> -> memref<8xf32, #tpu.memory_space<vmem_shared>>
        %dma_start3A_152 = tpu.memref_slice %arg22[%add3A_92] : memref<256xf32, #tpu.memory_space<vmem_shared>> -> memref<8xf32, #tpu.memory_space<vmem_shared>>
        %dma_start3A_153 = arith.constant 0 : i32
        %dma_start3A_154 = tpu.memref_slice %arg17[%dma_start3A_153] : memref<16xf32, #tpu.memory_space<vmem>> -> memref<8xf32, #tpu.memory_space<vmem>>
        tpu.enqueue_dma source(%dma_start3A_154 : memref<8xf32, #tpu.memory_space<vmem>>) target(%dma_start3A_152 : memref<8xf32, #tpu.memory_space<vmem_shared>>) target_semaphore(%run_scoped3A : memref<!tpu.dma_semaphore, #tpu.memory_space<semaphore_mem>>)
        %dma_wait3A = arith.constant 0 : i32
        %dma_wait3A_155 = tpu.memref_slice %arg17[%dma_wait3A] : memref<16xf32, #tpu.memory_space<vmem>> -> memref<8xf32, #tpu.memory_space<vmem>>
        %dma_wait3A_156 = tpu.memref_slice %arg22[%add3A_92] : memref<256xf32, #tpu.memory_space<vmem_shared>> -> memref<8xf32, #tpu.memory_space<vmem_shared>>
        %dma_wait3A_157 = tpu.memref_slice %arg22[%add3A_92] : memref<256xf32, #tpu.memory_space<vmem_shared>> -> memref<8xf32, #tpu.memory_space<vmem_shared>>
        %dma_wait3A_158 = arith.constant 0 : i32
        %dma_wait3A_159 = tpu.memref_slice %arg17[%dma_wait3A_158] : memref<16xf32, #tpu.memory_space<vmem>> -> memref<8xf32, #tpu.memory_space<vmem>>
        tpu.wait_dma2 semaphore(%run_scoped3A : memref<!tpu.dma_semaphore, #tpu.memory_space<semaphore_mem>>) src(%dma_wait3A_159 : memref<8xf32, #tpu.memory_space<vmem>>) dst(%dma_wait3A_157 : memref<8xf32, #tpu.memory_space<vmem_shared>>)
        tpu.yield
      }) : () -> ()
      %barrier3A_93 = arith.constant 0 : index
      tpu.barrier barrier_id(%barrier3A_93)
      %mul3A_94 = arith.constant 128 : i32
      %mul3A_95 = arith.muli %rem3A_55, %mul3A_94 : i32
      "tpu.region"() ({
        %run_scoped3A = tpu.sem_alloc : memref<!tpu.dma_semaphore, #tpu.memory_space<semaphore_mem>>
        %dma_start3A = tpu.memref_slice %arg22[%mul3A_95] : memref<256xf32, #tpu.memory_space<vmem_shared>> -> memref<128xf32, #tpu.memory_space<vmem_shared>>
        %dma_start3A_150 = tpu.memref_slice %arg22[%mul3A_95] : memref<256xf32, #tpu.memory_space<vmem_shared>> -> memref<128xf32, #tpu.memory_space<vmem_shared>>
        tpu.enqueue_dma source(%dma_start3A_150 : memref<128xf32, #tpu.memory_space<vmem_shared>>) target(%arg16 : memref<128xf32, #tpu.memory_space<vmem>>) target_semaphore(%run_scoped3A : memref<!tpu.dma_semaphore, #tpu.memory_space<semaphore_mem>>)
        %dma_wait3A = tpu.memref_slice %arg22[%mul3A_95] : memref<256xf32, #tpu.memory_space<vmem_shared>> -> memref<128xf32, #tpu.memory_space<vmem_shared>>
        %dma_wait3A_151 = tpu.memref_slice %arg22[%mul3A_95] : memref<256xf32, #tpu.memory_space<vmem_shared>> -> memref<128xf32, #tpu.memory_space<vmem_shared>>
        tpu.wait_dma2 semaphore(%run_scoped3A : memref<!tpu.dma_semaphore, #tpu.memory_space<semaphore_mem>>) src(%dma_wait3A_151 : memref<128xf32, #tpu.memory_space<vmem_shared>>) dst(%arg16 : memref<128xf32, #tpu.memory_space<vmem>>)
        tpu.yield
      }) : () -> ()
      %mul3A_96 = arith.constant 8 : i32
      %mul3A_97 = vector.broadcast %mul3A_96 : i32 to vector<16xi32>
      %mul3A_98 = arith.muli %iota3A, %mul3A_97 : vector<16xi32>
      %gather3A = tpu.vector_load_idx %arg16[%mul3A_98] : memref<128xf32, #tpu.memory_space<vmem>>[vector<16xi32>], vector<16xf32>,
      %mul3A_99 = arith.constant 8 : i32
      %mul3A_100 = vector.broadcast %mul3A_99 : i32 to vector<16xi32>
      %mul3A_101 = arith.muli %iota3A, %mul3A_100 : vector<16xi32>
      %add3A_102 = arith.constant 1 : i32
      %add3A_103 = vector.broadcast %add3A_102 : i32 to vector<16xi32>
      %add3A_104 = arith.addi %mul3A_101, %add3A_103 : vector<16xi32>
      %gather3A_105 = tpu.vector_load_idx %arg16[%add3A_104] : memref<128xf32, #tpu.memory_space<vmem>>[vector<16xi32>], vector<16xf32>,
      %bitcast3A_106 = vector.bitcast %gather3A_105 : vector<16xf32> to vector<16xi32>
      %reduce_max3A_107 = arith.constant true
      %reduce_max3A_108 = vector.broadcast %reduce_max3A_107 : i1 to vector<16xi1>
      %reduce_max3A_109 = tpu.scan <max>, %gather3A masked %reduce_max3A_108 : vector<16xf32>, vector<16xi1> -> vector<16xf32>
      %reduce_max3A_110 = vector.extract %reduce_max3A_109[15] : f32 from vector<16xf32>
      %eq3A_111 = vector.broadcast %reduce_max3A_110 : f32 to vector<16xf32>
      %eq3A_112 = arith.cmpf oeq, %gather3A, %eq3A_111 : vector<16xf32>
      %jit3A_113 = arith.constant 1073741824 : i32
      %broadcast_in_dim3A_114 = vector.broadcast %jit3A_113 : i32 to vector<16xi32>
      %select_n3A_115 = arith.select %eq3A_112, %bitcast3A_106, %broadcast_in_dim3A_114 : vector<16xi1>, vector<16xi32>
      %reduce_min3A_116 = arith.constant true
      %reduce_min3A_117 = vector.broadcast %reduce_min3A_116 : i1 to vector<16xi1>
      %reduce_min3A_118 = arith.constant -2147483648 : i32
      %reduce_min3A_119 = vector.broadcast %reduce_min3A_118 : i32 to vector<16xi32>
      %reduce_min3A_120 = arith.xori %select_n3A_115, %reduce_min3A_119 : vector<16xi32>
      %reduce_min3A_121 = tpu.scan <min>, %reduce_min3A_120 masked %reduce_min3A_117 : vector<16xi32>, vector<16xi1> -> vector<16xi32>
      %reduce_min3A_122 = arith.xori %reduce_min3A_121, %reduce_min3A_119 : vector<16xi32>
      %reduce_min3A_123 = vector.extract %reduce_min3A_122[15] : i32 from vector<16xi32>
      %lt3A = arith.constant -1.000000e+29 : f32
      %lt3A_124 = arith.cmpf olt, %reduce_max3A_110, %lt3A : f32
      %not3A = arith.constant true
      %not3A_125 = arith.xori %lt3A_124, %not3A : i1
      %lt3A_126 = arith.constant 1000 : i32
      %lt3A_127 = arith.cmpi slt, %scan3A_53, %lt3A_126 : i32
      %and3A = arith.andi %not3A_125, %lt3A_127 : i1
      %broadcast_in_dim3A_128 = vector.broadcast %reduce_min3A_123 : i32 to vector<16xi32>
      %ge3A = arith.cmpi sge, %reduce_min3A_123, %mul3A_0 : i32
      %add3A_129 = arith.constant 576 : i32
      %add3A_130 = arith.addi %mul3A_0, %add3A_129 : i32
      %lt3A_131 = arith.cmpi slt, %reduce_min3A_123, %add3A_130 : i32
      %and3A_132 = arith.andi %ge3A, %lt3A_131 : i1
      %and3A_133 = arith.andi %eq3A_57, %and3A : i1
      %convert_element_type3A_134 = arith.extui %and3A_133 : i1 to i32
      %cond3A_135 = arith.constant 0 : i32
      %cond3A_136 = arith.cmpi ne, %convert_element_type3A_134, %cond3A_135 : i32
      scf.if %cond3A_136 {
        %gather3A_150 = tpu.vector_load_idx %arg7[%broadcast_in_dim3A_128] : memref<9216xf32, #tpu.memory_space<vmem>>[vector<16xi32>], vector<16xf32>,
        %gather3A_151 = tpu.vector_load_idx %arg8[%broadcast_in_dim3A_128] : memref<9216xf32, #tpu.memory_space<vmem>>[vector<16xi32>], vector<16xf32>,
        %gather3A_152 = tpu.vector_load_idx %arg9[%broadcast_in_dim3A_128] : memref<9216xf32, #tpu.memory_space<vmem>>[vector<16xi32>], vector<16xf32>,
        %gather3A_153 = tpu.vector_load_idx %arg10[%broadcast_in_dim3A_128] : memref<9216xf32, #tpu.memory_space<vmem>>[vector<16xi32>], vector<16xf32>,
        %gather3A_154 = tpu.vector_load_idx %arg11[%broadcast_in_dim3A_128] : memref<9216xf32, #tpu.memory_space<vmem>>[vector<16xi32>], vector<16xf32>,
        %swap3A_155 = arith.constant 0 : index
        %swap3A_156 = tpu.vector_load %arg20[%swap3A_155] {strides = array<i32>} : memref<16xf32, #tpu.memory_space<vmem>>, vector<16xf32>,
        tpu.vector_store %arg20[%swap3A_155], %broadcast_in_dim3A_20 {strides = array<i32>} : memref<16xf32, #tpu.memory_space<vmem>>, vector<16xf32>,
        %swap3A_157 = arith.constant 0 : index
        %swap3A_158 = tpu.vector_load %arg21[%swap3A_157] {strides = array<i32>} : memref<16xi32, #tpu.memory_space<vmem>>, vector<16xi32>,
        tpu.vector_store %arg21[%swap3A_157], %broadcast_in_dim3A_18 {strides = array<i32>} : memref<16xi32, #tpu.memory_space<vmem>>, vector<16xi32>,
        %scan3A_159 = arith.constant 0 : i32
        %scan3A_160 = arith.constant 0 : i32
        %scan3A_161 = arith.constant 36 : i32
        %scan3A_162 = arith.addi %scan3A_160, %scan3A_161 : i32
        %scan3A_163 = arith.constant 2 : i32
        %scan3A_164 = scf.for %scan3A_166 = %scan3A_160 to %scan3A_162 step %scan3A_163 iter_args(%scan3A_167 = %scan3A_159) -> (i32)  : i32 {
          %mul3A_168 = arith.constant 16 : i32
          %mul3A_169 = arith.muli %scan3A_166, %mul3A_168 : i32
          %add3A_170 = arith.addi %mul3A_0, %mul3A_169 : i32
          %get3A_171 = arith.index_cast %add3A_170 : i32 to index
          %get3A_172 = tpu.vector_load %arg7[%get3A_171] {strides = array<i32>} : memref<9216xf32, #tpu.memory_space<vmem>>, vector<16xf32>,
          %get3A_173 = arith.index_cast %add3A_170 : i32 to index
          %get3A_174 = tpu.vector_load %arg8[%get3A_173] {strides = array<i32>} : memref<9216xf32, #tpu.memory_space<vmem>>, vector<16xf32>,
          %get3A_175 = arith.index_cast %add3A_170 : i32 to index
          %get3A_176 = tpu.vector_load %arg9[%get3A_175] {strides = array<i32>} : memref<9216xf32, #tpu.memory_space<vmem>>, vector<16xf32>,
          %get3A_177 = arith.index_cast %add3A_170 : i32 to index
          %get3A_178 = tpu.vector_load %arg10[%get3A_177] {strides = array<i32>} : memref<9216xf32, #tpu.memory_space<vmem>>, vector<16xf32>,
          %get3A_179 = arith.index_cast %add3A_170 : i32 to index
          %get3A_180 = tpu.vector_load %arg11[%get3A_179] {strides = array<i32>} : memref<9216xf32, #tpu.memory_space<vmem>>, vector<16xf32>,
          %get3A_181 = arith.index_cast %add3A_170 : i32 to index
          %get3A_182 = tpu.vector_load %arg12[%get3A_181] {strides = array<i32>} : memref<9216xf32, #tpu.memory_space<vmem>>, vector<16xf32>,
          %get3A_183 = arith.index_cast %add3A_170 : i32 to index
          %get3A_184 = tpu.vector_load %arg13[%get3A_183] {strides = array<i32>} : memref<9216xf32, #tpu.memory_space<vmem>>, vector<16xf32>,
          %get3A_185 = arith.index_cast %add3A_170 : i32 to index
          %get3A_186 = tpu.vector_load %arg15[%get3A_185] {strides = array<i32>} : memref<9216xf32, #tpu.memory_space<vmem>>, vector<16xf32>,
          %max3A = arith.maximumf %gather3A_150, %get3A_172 : vector<16xf32>
          %max3A_187 = arith.maximumf %gather3A_151, %get3A_174 : vector<16xf32>
          %min3A = arith.minimumf %gather3A_152, %get3A_176 : vector<16xf32>
          %min3A_188 = arith.minimumf %gather3A_153, %get3A_178 : vector<16xf32>
          %sub3A = arith.subf %min3A, %max3A : vector<16xf32>
          %max3A_189 = arith.constant 0.000000e+00 : f32
          %max3A_190 = vector.broadcast %max3A_189 : f32 to vector<16xf32>
          %max3A_191 = arith.maximumf %sub3A, %max3A_190 : vector<16xf32>
          %sub3A_192 = arith.subf %min3A_188, %max3A_187 : vector<16xf32>
          %max3A_193 = arith.constant 0.000000e+00 : f32
          %max3A_194 = vector.broadcast %max3A_193 : f32 to vector<16xf32>
          %max3A_195 = arith.maximumf %sub3A_192, %max3A_194 : vector<16xf32>
          %mul3A_196 = arith.mulf %max3A_191, %max3A_195 : vector<16xf32>
          %add3A_197 = arith.addf %gather3A_154, %get3A_180 : vector<16xf32>
          %sub3A_198 = arith.subf %add3A_197, %mul3A_196 : vector<16xf32>
          %add3A_199 = arith.constant 9.99999996E-13 : f32
          %add3A_200 = vector.broadcast %add3A_199 : f32 to vector<16xf32>
          %add3A_201 = arith.addf %sub3A_198, %add3A_200 : vector<16xf32>
          %div3A = arith.divf %mul3A_196, %add3A_201 : vector<16xf32>
          %gt3A = arith.constant 0.699999988 : f32
          %gt3A_202 = vector.broadcast %gt3A : f32 to vector<16xf32>
          %gt3A_203 = arith.cmpf ogt, %div3A, %gt3A_202 : vector<16xf32>
          %gt3A_204 = arith.constant -1.000000e+29 : f32
          %gt3A_205 = vector.broadcast %gt3A_204 : f32 to vector<16xf32>
          %gt3A_206 = arith.cmpf ogt, %get3A_182, %gt3A_205 : vector<16xf32>
          %jit3A_207 = arith.constant -1.000000e+30 : f32
          %broadcast_in_dim3A_208 = vector.broadcast %jit3A_207 : f32 to vector<16xf32>
          %select_n3A_209 = arith.select %gt3A_203, %broadcast_in_dim3A_208, %get3A_182 : vector<16xi1>, vector<16xf32>
          %and3A_210 = arith.andi %gt3A_203, %gt3A_206 : vector<16xi1>
          %select_n3A_211 = arith.select %and3A_210, %get3A_186, %get3A_184 : vector<16xi1>, vector<16xf32>
          %swap3A_212 = arith.index_cast %add3A_170 : i32 to index
          %swap3A_213 = tpu.vector_load %arg13[%swap3A_212] {strides = array<i32>} : memref<9216xf32, #tpu.memory_space<vmem>>, vector<16xf32>,
          tpu.vector_store %arg13[%swap3A_212], %select_n3A_211 {strides = array<i32>} : memref<9216xf32, #tpu.memory_space<vmem>>, vector<16xf32>,
          %swap3A_214 = arith.index_cast %add3A_170 : i32 to index
          %swap3A_215 = tpu.vector_load %arg12[%swap3A_214] {strides = array<i32>} : memref<9216xf32, #tpu.memory_space<vmem>>, vector<16xf32>,
          tpu.vector_store %arg12[%swap3A_214], %select_n3A_209 {strides = array<i32>} : memref<9216xf32, #tpu.memory_space<vmem>>, vector<16xf32>,
          %mul3A_216 = arith.constant 16 : i32
          %mul3A_217 = arith.muli %scan3A_166, %mul3A_216 : i32
          %add3A_218 = arith.addi %mul3A_0, %mul3A_217 : i32
          %add3A_219 = vector.broadcast %add3A_218 : i32 to vector<16xi32>
          %add3A_220 = arith.addi %add3A_219, %iota3A : vector<16xi32>
          %get3A_221 = arith.constant 0 : index
          %get3A_222 = tpu.vector_load %arg20[%get3A_221] {strides = array<i32>} : memref<16xf32, #tpu.memory_space<vmem>>, vector<16xf32>,
          %gt3A_223 = arith.cmpf ogt, %select_n3A_209, %get3A_222 : vector<16xf32>
          %select_n3A_224 = arith.select %gt3A_223, %select_n3A_209, %get3A_222 : vector<16xi1>, vector<16xf32>
          %swap3A_225 = arith.constant 0 : index
          %swap3A_226 = tpu.vector_load %arg20[%swap3A_225] {strides = array<i32>} : memref<16xf32, #tpu.memory_space<vmem>>, vector<16xf32>,
          tpu.vector_store %arg20[%swap3A_225], %select_n3A_224 {strides = array<i32>} : memref<16xf32, #tpu.memory_space<vmem>>, vector<16xf32>,
          %get3A_227 = arith.constant 0 : index
          %get3A_228 = tpu.vector_load %arg21[%get3A_227] {strides = array<i32>} : memref<16xi32, #tpu.memory_space<vmem>>, vector<16xi32>,
          %select_n3A_229 = arith.select %gt3A_223, %add3A_220, %get3A_228 : vector<16xi1>, vector<16xi32>
          %swap3A_230 = arith.constant 0 : index
          %swap3A_231 = tpu.vector_load %arg21[%swap3A_230] {strides = array<i32>} : memref<16xi32, #tpu.memory_space<vmem>>, vector<16xi32>,
          tpu.vector_store %arg21[%swap3A_230], %select_n3A_229 {strides = array<i32>} : memref<16xi32, #tpu.memory_space<vmem>>, vector<16xi32>,
          %scan3A_232 = arith.constant 0 : i32
          %scan3A_233 = arith.constant 1 : i32
          %scan3A_234 = arith.addi %scan3A_166, %scan3A_233 : i32
          %mul3A_235 = arith.constant 16 : i32
          %mul3A_236 = arith.muli %scan3A_234, %mul3A_235 : i32
          %add3A_237 = arith.addi %mul3A_0, %mul3A_236 : i32
          %get3A_238 = arith.index_cast %add3A_237 : i32 to index
          %get3A_239 = tpu.vector_load %arg7[%get3A_238] {strides = array<i32>} : memref<9216xf32, #tpu.memory_space<vmem>>, vector<16xf32>,
          %get3A_240 = arith.index_cast %add3A_237 : i32 to index
          %get3A_241 = tpu.vector_load %arg8[%get3A_240] {strides = array<i32>} : memref<9216xf32, #tpu.memory_space<vmem>>, vector<16xf32>,
          %get3A_242 = arith.index_cast %add3A_237 : i32 to index
          %get3A_243 = tpu.vector_load %arg9[%get3A_242] {strides = array<i32>} : memref<9216xf32, #tpu.memory_space<vmem>>, vector<16xf32>,
          %get3A_244 = arith.index_cast %add3A_237 : i32 to index
          %get3A_245 = tpu.vector_load %arg10[%get3A_244] {strides = array<i32>} : memref<9216xf32, #tpu.memory_space<vmem>>, vector<16xf32>,
          %get3A_246 = arith.index_cast %add3A_237 : i32 to index
          %get3A_247 = tpu.vector_load %arg11[%get3A_246] {strides = array<i32>} : memref<9216xf32, #tpu.memory_space<vmem>>, vector<16xf32>,
          %get3A_248 = arith.index_cast %add3A_237 : i32 to index
          %get3A_249 = tpu.vector_load %arg12[%get3A_248] {strides = array<i32>} : memref<9216xf32, #tpu.memory_space<vmem>>, vector<16xf32>,
          %get3A_250 = arith.index_cast %add3A_237 : i32 to index
          %get3A_251 = tpu.vector_load %arg13[%get3A_250] {strides = array<i32>} : memref<9216xf32, #tpu.memory_space<vmem>>, vector<16xf32>,
          %get3A_252 = arith.index_cast %add3A_237 : i32 to index
          %get3A_253 = tpu.vector_load %arg15[%get3A_252] {strides = array<i32>} : memref<9216xf32, #tpu.memory_space<vmem>>, vector<16xf32>,
          %max3A_254 = arith.maximumf %gather3A_150, %get3A_239 : vector<16xf32>
          %max3A_255 = arith.maximumf %gather3A_151, %get3A_241 : vector<16xf32>
          %min3A_256 = arith.minimumf %gather3A_152, %get3A_243 : vector<16xf32>
          %min3A_257 = arith.minimumf %gather3A_153, %get3A_245 : vector<16xf32>
          %sub3A_258 = arith.subf %min3A_256, %max3A_254 : vector<16xf32>
          %max3A_259 = arith.constant 0.000000e+00 : f32
          %max3A_260 = vector.broadcast %max3A_259 : f32 to vector<16xf32>
          %max3A_261 = arith.maximumf %sub3A_258, %max3A_260 : vector<16xf32>
          %sub3A_262 = arith.subf %min3A_257, %max3A_255 : vector<16xf32>
          %max3A_263 = arith.constant 0.000000e+00 : f32
          %max3A_264 = vector.broadcast %max3A_263 : f32 to vector<16xf32>
          %max3A_265 = arith.maximumf %sub3A_262, %max3A_264 : vector<16xf32>
          %mul3A_266 = arith.mulf %max3A_261, %max3A_265 : vector<16xf32>
          %add3A_267 = arith.addf %gather3A_154, %get3A_247 : vector<16xf32>
          %sub3A_268 = arith.subf %add3A_267, %mul3A_266 : vector<16xf32>
          %add3A_269 = arith.constant 9.99999996E-13 : f32
          %add3A_270 = vector.broadcast %add3A_269 : f32 to vector<16xf32>
          %add3A_271 = arith.addf %sub3A_268, %add3A_270 : vector<16xf32>
          %div3A_272 = arith.divf %mul3A_266, %add3A_271 : vector<16xf32>
          %gt3A_273 = arith.constant 0.699999988 : f32
          %gt3A_274 = vector.broadcast %gt3A_273 : f32 to vector<16xf32>
          %gt3A_275 = arith.cmpf ogt, %div3A_272, %gt3A_274 : vector<16xf32>
          %gt3A_276 = arith.constant -1.000000e+29 : f32
          %gt3A_277 = vector.broadcast %gt3A_276 : f32 to vector<16xf32>
          %gt3A_278 = arith.cmpf ogt, %get3A_249, %gt3A_277 : vector<16xf32>
          %jit3A_279 = arith.constant -1.000000e+30 : f32
          %broadcast_in_dim3A_280 = vector.broadcast %jit3A_279 : f32 to vector<16xf32>
          %select_n3A_281 = arith.select %gt3A_275, %broadcast_in_dim3A_280, %get3A_249 : vector<16xi1>, vector<16xf32>
          %and3A_282 = arith.andi %gt3A_275, %gt3A_278 : vector<16xi1>
          %select_n3A_283 = arith.select %and3A_282, %get3A_253, %get3A_251 : vector<16xi1>, vector<16xf32>
          %swap3A_284 = arith.index_cast %add3A_237 : i32 to index
          %swap3A_285 = tpu.vector_load %arg13[%swap3A_284] {strides = array<i32>} : memref<9216xf32, #tpu.memory_space<vmem>>, vector<16xf32>,
          tpu.vector_store %arg13[%swap3A_284], %select_n3A_283 {strides = array<i32>} : memref<9216xf32, #tpu.memory_space<vmem>>, vector<16xf32>,
          %swap3A_286 = arith.index_cast %add3A_237 : i32 to index
          %swap3A_287 = tpu.vector_load %arg12[%swap3A_286] {strides = array<i32>} : memref<9216xf32, #tpu.memory_space<vmem>>, vector<16xf32>,
          tpu.vector_store %arg12[%swap3A_286], %select_n3A_281 {strides = array<i32>} : memref<9216xf32, #tpu.memory_space<vmem>>, vector<16xf32>,
          %mul3A_288 = arith.constant 16 : i32
          %mul3A_289 = arith.muli %scan3A_234, %mul3A_288 : i32
          %add3A_290 = arith.addi %mul3A_0, %mul3A_289 : i32
          %add3A_291 = vector.broadcast %add3A_290 : i32 to vector<16xi32>
          %add3A_292 = arith.addi %add3A_291, %iota3A : vector<16xi32>
          %get3A_293 = arith.constant 0 : index
          %get3A_294 = tpu.vector_load %arg20[%get3A_293] {strides = array<i32>} : memref<16xf32, #tpu.memory_space<vmem>>, vector<16xf32>,
          %gt3A_295 = arith.cmpf ogt, %select_n3A_281, %get3A_294 : vector<16xf32>
          %select_n3A_296 = arith.select %gt3A_295, %select_n3A_281, %get3A_294 : vector<16xi1>, vector<16xf32>
          %swap3A_297 = arith.constant 0 : index
          %swap3A_298 = tpu.vector_load %arg20[%swap3A_297] {strides = array<i32>} : memref<16xf32, #tpu.memory_space<vmem>>, vector<16xf32>,
          tpu.vector_store %arg20[%swap3A_297], %select_n3A_296 {strides = array<i32>} : memref<16xf32, #tpu.memory_space<vmem>>, vector<16xf32>,
          %get3A_299 = arith.constant 0 : index
          %get3A_300 = tpu.vector_load %arg21[%get3A_299] {strides = array<i32>} : memref<16xi32, #tpu.memory_space<vmem>>, vector<16xi32>,
          %select_n3A_301 = arith.select %gt3A_295, %add3A_292, %get3A_300 : vector<16xi1>, vector<16xi32>
          %swap3A_302 = arith.constant 0 : index
          %swap3A_303 = tpu.vector_load %arg21[%swap3A_302] {strides = array<i32>} : memref<16xi32, #tpu.memory_space<vmem>>, vector<16xi32>,
          tpu.vector_store %arg21[%swap3A_302], %select_n3A_301 {strides = array<i32>} : memref<16xi32, #tpu.memory_space<vmem>>, vector<16xi32>,
          %scan3A_304 = arith.constant 0 : i32
          scf.yield %scan3A_304 : i32
        }
        %scan3A_165 = arith.constant 36 : i32
      } else {
      }
      %and3A_137 = arith.andi %eq3A_57, %lt3A_124 : i1
      %convert_element_type3A_138 = arith.extui %and3A_137 : i1 to i32
      %cond3A_139 = arith.constant 0 : i32
      %cond3A_140 = arith.cmpi ne, %convert_element_type3A_138, %cond3A_139 : i32
      scf.if %cond3A_140 {
        %swap3A_150 = arith.constant 0 : index
        %swap3A_151 = tpu.vector_load %arg20[%swap3A_150] {strides = array<i32>} : memref<16xf32, #tpu.memory_space<vmem>>, vector<16xf32>,
        tpu.vector_store %arg20[%swap3A_150], %broadcast_in_dim3A_20 {strides = array<i32>} : memref<16xf32, #tpu.memory_space<vmem>>, vector<16xf32>,
        %swap3A_152 = arith.constant 0 : index
        %swap3A_153 = tpu.vector_load %arg21[%swap3A_152] {strides = array<i32>} : memref<16xi32, #tpu.memory_space<vmem>>, vector<16xi32>,
        tpu.vector_store %arg21[%swap3A_152], %broadcast_in_dim3A_18 {strides = array<i32>} : memref<16xi32, #tpu.memory_space<vmem>>, vector<16xi32>,
        %scan3A_154 = arith.constant 0 : i32
        %scan3A_155 = arith.constant 0 : i32
        %scan3A_156 = arith.constant 36 : i32
        %scan3A_157 = arith.addi %scan3A_155, %scan3A_156 : i32
        %scan3A_158 = arith.constant 2 : i32
        %scan3A_159 = scf.for %scan3A_161 = %scan3A_155 to %scan3A_157 step %scan3A_158 iter_args(%scan3A_162 = %scan3A_154) -> (i32)  : i32 {
          %mul3A_163 = arith.constant 16 : i32
          %mul3A_164 = arith.muli %scan3A_161, %mul3A_163 : i32
          %add3A_165 = arith.addi %mul3A_0, %mul3A_164 : i32
          %get3A_166 = arith.index_cast %add3A_165 : i32 to index
          %get3A_167 = tpu.vector_load %arg13[%get3A_166] {strides = array<i32>} : memref<9216xf32, #tpu.memory_space<vmem>>, vector<16xf32>,
          %mul3A_168 = arith.constant 16 : i32
          %mul3A_169 = arith.muli %scan3A_161, %mul3A_168 : i32
          %add3A_170 = arith.addi %mul3A_0, %mul3A_169 : i32
          %add3A_171 = vector.broadcast %add3A_170 : i32 to vector<16xi32>
          %add3A_172 = arith.addi %add3A_171, %iota3A : vector<16xi32>
          %get3A_173 = arith.constant 0 : index
          %get3A_174 = tpu.vector_load %arg20[%get3A_173] {strides = array<i32>} : memref<16xf32, #tpu.memory_space<vmem>>, vector<16xf32>,
          %gt3A = arith.cmpf ogt, %get3A_167, %get3A_174 : vector<16xf32>
          %select_n3A_175 = arith.select %gt3A, %get3A_167, %get3A_174 : vector<16xi1>, vector<16xf32>
          %swap3A_176 = arith.constant 0 : index
          %swap3A_177 = tpu.vector_load %arg20[%swap3A_176] {strides = array<i32>} : memref<16xf32, #tpu.memory_space<vmem>>, vector<16xf32>,
          tpu.vector_store %arg20[%swap3A_176], %select_n3A_175 {strides = array<i32>} : memref<16xf32, #tpu.memory_space<vmem>>, vector<16xf32>,
          %get3A_178 = arith.constant 0 : index
          %get3A_179 = tpu.vector_load %arg21[%get3A_178] {strides = array<i32>} : memref<16xi32, #tpu.memory_space<vmem>>, vector<16xi32>,
          %select_n3A_180 = arith.select %gt3A, %add3A_172, %get3A_179 : vector<16xi1>, vector<16xi32>
          %swap3A_181 = arith.constant 0 : index
          %swap3A_182 = tpu.vector_load %arg21[%swap3A_181] {strides = array<i32>} : memref<16xi32, #tpu.memory_space<vmem>>, vector<16xi32>,
          tpu.vector_store %arg21[%swap3A_181], %select_n3A_180 {strides = array<i32>} : memref<16xi32, #tpu.memory_space<vmem>>, vector<16xi32>,
          %scan3A_183 = arith.constant 0 : i32
          %scan3A_184 = arith.constant 1 : i32
          %scan3A_185 = arith.addi %scan3A_161, %scan3A_184 : i32
          %mul3A_186 = arith.constant 16 : i32
          %mul3A_187 = arith.muli %scan3A_185, %mul3A_186 : i32
          %add3A_188 = arith.addi %mul3A_0, %mul3A_187 : i32
          %get3A_189 = arith.index_cast %add3A_188 : i32 to index
          %get3A_190 = tpu.vector_load %arg13[%get3A_189] {strides = array<i32>} : memref<9216xf32, #tpu.memory_space<vmem>>, vector<16xf32>,
          %mul3A_191 = arith.constant 16 : i32
          %mul3A_192 = arith.muli %scan3A_185, %mul3A_191 : i32
          %add3A_193 = arith.addi %mul3A_0, %mul3A_192 : i32
          %add3A_194 = vector.broadcast %add3A_193 : i32 to vector<16xi32>
          %add3A_195 = arith.addi %add3A_194, %iota3A : vector<16xi32>
          %get3A_196 = arith.constant 0 : index
          %get3A_197 = tpu.vector_load %arg20[%get3A_196] {strides = array<i32>} : memref<16xf32, #tpu.memory_space<vmem>>, vector<16xf32>,
          %gt3A_198 = arith.cmpf ogt, %get3A_190, %get3A_197 : vector<16xf32>
          %select_n3A_199 = arith.select %gt3A_198, %get3A_190, %get3A_197 : vector<16xi1>, vector<16xf32>
          %swap3A_200 = arith.constant 0 : index
          %swap3A_201 = tpu.vector_load %arg20[%swap3A_200] {strides = array<i32>} : memref<16xf32, #tpu.memory_space<vmem>>, vector<16xf32>,
          tpu.vector_store %arg20[%swap3A_200], %select_n3A_199 {strides = array<i32>} : memref<16xf32, #tpu.memory_space<vmem>>, vector<16xf32>,
          %get3A_202 = arith.constant 0 : index
          %get3A_203 = tpu.vector_load %arg21[%get3A_202] {strides = array<i32>} : memref<16xi32, #tpu.memory_space<vmem>>, vector<16xi32>,
          %select_n3A_204 = arith.select %gt3A_198, %add3A_195, %get3A_203 : vector<16xi1>, vector<16xi32>
          %swap3A_205 = arith.constant 0 : index
          %swap3A_206 = tpu.vector_load %arg21[%swap3A_205] {strides = array<i32>} : memref<16xi32, #tpu.memory_space<vmem>>, vector<16xi32>,
          tpu.vector_store %arg21[%swap3A_205], %select_n3A_204 {strides = array<i32>} : memref<16xi32, #tpu.memory_space<vmem>>, vector<16xi32>,
          %scan3A_207 = arith.constant 0 : i32
          scf.yield %scan3A_207 : i32
        }
        %scan3A_160 = arith.constant 36 : i32
      } else {
      }
      %convert_element_type3A_141 = arith.extui %and3A : i1 to i32
      %cond3A_142 = arith.constant 0 : i32
      %cond3A_143 = arith.cmpi ne, %convert_element_type3A_141, %cond3A_142 : i32
      scf.if %cond3A_143 {
        %eq3A_150 = arith.constant 0 : i32
        %eq3A_151 = vector.broadcast %eq3A_150 : i32 to vector<16xi32>
        %eq3A_152 = arith.cmpi eq, %iota3A, %eq3A_151 : vector<16xi32>
        tpu.vector_store_idx %arg12[%broadcast_in_dim3A_128], %broadcast_in_dim3A_20 masked %eq3A_152 : memref<9216xf32, #tpu.memory_space<vmem>>[vector<16xi32>], vector<16xf32>, vector<16xi1>
        tpu.vector_store_idx %arg13[%broadcast_in_dim3A_128], %broadcast_in_dim3A_20 masked %eq3A_152 : memref<9216xf32, #tpu.memory_space<vmem>>[vector<16xi32>], vector<16xf32>, vector<16xi1>
        %not3A_153 = arith.constant true
        %not3A_154 = arith.xori %eq3A_57, %not3A_153 : i1
        %and3A_155 = arith.andi %not3A_154, %and3A_132 : i1
        %convert_element_type3A_156 = arith.extui %and3A_155 : i1 to i32
        %cond3A_157 = arith.constant 0 : i32
        %cond3A_158 = arith.cmpi ne, %convert_element_type3A_156, %cond3A_157 : i32
        scf.if %cond3A_158 {
          %swap3A_164 = arith.constant 0 : index
          %swap3A_165 = tpu.vector_load %arg20[%swap3A_164] {strides = array<i32>} : memref<16xf32, #tpu.memory_space<vmem>>, vector<16xf32>,
          tpu.vector_store %arg20[%swap3A_164], %broadcast_in_dim3A_20 {strides = array<i32>} : memref<16xf32, #tpu.memory_space<vmem>>, vector<16xf32>,
          %swap3A_166 = arith.constant 0 : index
          %swap3A_167 = tpu.vector_load %arg21[%swap3A_166] {strides = array<i32>} : memref<16xi32, #tpu.memory_space<vmem>>, vector<16xi32>,
          tpu.vector_store %arg21[%swap3A_166], %broadcast_in_dim3A_18 {strides = array<i32>} : memref<16xi32, #tpu.memory_space<vmem>>, vector<16xi32>,
          %scan3A_168 = arith.constant 0 : i32
          %scan3A_169 = arith.constant 0 : i32
          %scan3A_170 = arith.constant 36 : i32
          %scan3A_171 = arith.addi %scan3A_169, %scan3A_170 : i32
          %scan3A_172 = arith.constant 2 : i32
          %scan3A_173 = scf.for %scan3A_175 = %scan3A_169 to %scan3A_171 step %scan3A_172 iter_args(%scan3A_176 = %scan3A_168) -> (i32)  : i32 {
            %mul3A_177 = arith.constant 16 : i32
            %mul3A_178 = arith.muli %scan3A_175, %mul3A_177 : i32
            %add3A_179 = arith.addi %mul3A_0, %mul3A_178 : i32
            %get3A_180 = arith.index_cast %add3A_179 : i32 to index
            %get3A_181 = tpu.vector_load %arg13[%get3A_180] {strides = array<i32>} : memref<9216xf32, #tpu.memory_space<vmem>>, vector<16xf32>,
            %mul3A_182 = arith.constant 16 : i32
            %mul3A_183 = arith.muli %scan3A_175, %mul3A_182 : i32
            %add3A_184 = arith.addi %mul3A_0, %mul3A_183 : i32
            %add3A_185 = vector.broadcast %add3A_184 : i32 to vector<16xi32>
            %add3A_186 = arith.addi %add3A_185, %iota3A : vector<16xi32>
            %get3A_187 = arith.constant 0 : index
            %get3A_188 = tpu.vector_load %arg20[%get3A_187] {strides = array<i32>} : memref<16xf32, #tpu.memory_space<vmem>>, vector<16xf32>,
            %gt3A = arith.cmpf ogt, %get3A_181, %get3A_188 : vector<16xf32>
            %select_n3A_189 = arith.select %gt3A, %get3A_181, %get3A_188 : vector<16xi1>, vector<16xf32>
            %swap3A_190 = arith.constant 0 : index
            %swap3A_191 = tpu.vector_load %arg20[%swap3A_190] {strides = array<i32>} : memref<16xf32, #tpu.memory_space<vmem>>, vector<16xf32>,
            tpu.vector_store %arg20[%swap3A_190], %select_n3A_189 {strides = array<i32>} : memref<16xf32, #tpu.memory_space<vmem>>, vector<16xf32>,
            %get3A_192 = arith.constant 0 : index
            %get3A_193 = tpu.vector_load %arg21[%get3A_192] {strides = array<i32>} : memref<16xi32, #tpu.memory_space<vmem>>, vector<16xi32>,
            %select_n3A_194 = arith.select %gt3A, %add3A_186, %get3A_193 : vector<16xi1>, vector<16xi32>
            %swap3A_195 = arith.constant 0 : index
            %swap3A_196 = tpu.vector_load %arg21[%swap3A_195] {strides = array<i32>} : memref<16xi32, #tpu.memory_space<vmem>>, vector<16xi32>,
            tpu.vector_store %arg21[%swap3A_195], %select_n3A_194 {strides = array<i32>} : memref<16xi32, #tpu.memory_space<vmem>>, vector<16xi32>,
            %scan3A_197 = arith.constant 0 : i32
            %scan3A_198 = arith.constant 1 : i32
            %scan3A_199 = arith.addi %scan3A_175, %scan3A_198 : i32
            %mul3A_200 = arith.constant 16 : i32
            %mul3A_201 = arith.muli %scan3A_199, %mul3A_200 : i32
            %add3A_202 = arith.addi %mul3A_0, %mul3A_201 : i32
            %get3A_203 = arith.index_cast %add3A_202 : i32 to index
            %get3A_204 = tpu.vector_load %arg13[%get3A_203] {strides = array<i32>} : memref<9216xf32, #tpu.memory_space<vmem>>, vector<16xf32>,
            %mul3A_205 = arith.constant 16 : i32
            %mul3A_206 = arith.muli %scan3A_199, %mul3A_205 : i32
            %add3A_207 = arith.addi %mul3A_0, %mul3A_206 : i32
            %add3A_208 = vector.broadcast %add3A_207 : i32 to vector<16xi32>
            %add3A_209 = arith.addi %add3A_208, %iota3A : vector<16xi32>
            %get3A_210 = arith.constant 0 : index
            %get3A_211 = tpu.vector_load %arg20[%get3A_210] {strides = array<i32>} : memref<16xf32, #tpu.memory_space<vmem>>, vector<16xf32>,
            %gt3A_212 = arith.cmpf ogt, %get3A_204, %get3A_211 : vector<16xf32>
            %select_n3A_213 = arith.select %gt3A_212, %get3A_204, %get3A_211 : vector<16xi1>, vector<16xf32>
            %swap3A_214 = arith.constant 0 : index
            %swap3A_215 = tpu.vector_load %arg20[%swap3A_214] {strides = array<i32>} : memref<16xf32, #tpu.memory_space<vmem>>, vector<16xf32>,
            tpu.vector_store %arg20[%swap3A_214], %select_n3A_213 {strides = array<i32>} : memref<16xf32, #tpu.memory_space<vmem>>, vector<16xf32>,
            %get3A_216 = arith.constant 0 : index
            %get3A_217 = tpu.vector_load %arg21[%get3A_216] {strides = array<i32>} : memref<16xi32, #tpu.memory_space<vmem>>, vector<16xi32>,
            %select_n3A_218 = arith.select %gt3A_212, %add3A_209, %get3A_217 : vector<16xi1>, vector<16xi32>
            %swap3A_219 = arith.constant 0 : index
            %swap3A_220 = tpu.vector_load %arg21[%swap3A_219] {strides = array<i32>} : memref<16xi32, #tpu.memory_space<vmem>>, vector<16xi32>,
            tpu.vector_store %arg21[%swap3A_219], %select_n3A_218 {strides = array<i32>} : memref<16xi32, #tpu.memory_space<vmem>>, vector<16xi32>,
            %scan3A_221 = arith.constant 0 : i32
            scf.yield %scan3A_221 : i32
          }
          %scan3A_174 = arith.constant 36 : i32
        } else {
        }
        %eq3A_159 = arith.constant 0 : i32
        %eq3A_160 = arith.cmpi eq, %arg1, %eq3A_159 : i32
        %convert_element_type3A_161 = arith.extui %eq3A_160 : i1 to i32
        %cond3A_162 = arith.constant 0 : i32
        %cond3A_163 = arith.cmpi ne, %convert_element_type3A_161, %cond3A_162 : i32
        scf.if %cond3A_163 {
          %gather3A_164 = tpu.vector_load_idx %arg7[%broadcast_in_dim3A_128] : memref<9216xf32, #tpu.memory_space<vmem>>[vector<16xi32>], vector<16xf32>,
          %gather3A_165 = tpu.vector_load_idx %arg8[%broadcast_in_dim3A_128] : memref<9216xf32, #tpu.memory_space<vmem>>[vector<16xi32>], vector<16xf32>,
          %gather3A_166 = tpu.vector_load_idx %arg9[%broadcast_in_dim3A_128] : memref<9216xf32, #tpu.memory_space<vmem>>[vector<16xi32>], vector<16xf32>,
          %gather3A_167 = tpu.vector_load_idx %arg10[%broadcast_in_dim3A_128] : memref<9216xf32, #tpu.memory_space<vmem>>[vector<16xi32>], vector<16xf32>,
          %eq3A_168 = arith.constant 0 : i32
          %eq3A_169 = vector.broadcast %eq3A_168 : i32 to vector<16xi32>
          %eq3A_170 = arith.cmpi eq, %iota3A, %eq3A_169 : vector<16xi32>
          %eq3A_171 = arith.constant 1 : i32
          %eq3A_172 = vector.broadcast %eq3A_171 : i32 to vector<16xi32>
          %eq3A_173 = arith.cmpi eq, %iota3A, %eq3A_172 : vector<16xi32>
          %eq3A_174 = arith.constant 2 : i32
          %eq3A_175 = vector.broadcast %eq3A_174 : i32 to vector<16xi32>
          %eq3A_176 = arith.cmpi eq, %iota3A, %eq3A_175 : vector<16xi32>
          %select_n3A_177 = arith.select %eq3A_176, %gather3A_166, %gather3A_167 : vector<16xi1>, vector<16xf32>
          %select_n3A_178 = arith.select %eq3A_173, %gather3A_165, %select_n3A_177 : vector<16xi1>, vector<16xf32>
          %select_n3A_179 = arith.select %eq3A_170, %gather3A_164, %select_n3A_178 : vector<16xi1>, vector<16xf32>
          %mul3A_180 = arith.constant 4 : i32
          %mul3A_181 = arith.muli %scan3A_53, %mul3A_180 : i32
          %min3A = arith.constant 3 : i32
          %min3A_182 = vector.broadcast %min3A : i32 to vector<16xi32>
          %min3A_183 = arith.minsi %iota3A, %min3A_182 : vector<16xi32>
          %add3A_184 = vector.broadcast %mul3A_181 : i32 to vector<16xi32>
          %add3A_185 = arith.addi %add3A_184, %min3A_183 : vector<16xi32>
          %lt3A_186 = arith.constant 4 : i32
          %lt3A_187 = vector.broadcast %lt3A_186 : i32 to vector<16xi32>
          %lt3A_188 = arith.cmpi slt, %iota3A, %lt3A_187 : vector<16xi32>
          tpu.vector_store_idx %arg18[%add3A_185], %select_n3A_179 masked %lt3A_188 : memref<4000xf32, #tpu.memory_space<vmem>>[vector<16xi32>], vector<16xf32>, vector<16xi1>
          %jit3A_189 = arith.constant -1.000000e+00 : f32
          %select_n3A_190 = arith.select %eq3A_57, %reduce_max3A_110, %jit3A_189 : f32
          %broadcast_in_dim3A_191 = vector.broadcast %scan3A_53 : i32 to vector<16xi32>
          %broadcast_in_dim3A_192 = vector.broadcast %select_n3A_190 : f32 to vector<16xf32>
          tpu.vector_store_idx %arg19[%broadcast_in_dim3A_191], %broadcast_in_dim3A_192 masked %eq3A_152 : memref<1000xf32, #tpu.memory_space<vmem>>[vector<16xi32>], vector<16xf32>, vector<16xi1>
        } else {
        }
      } else {
      }
      %jit3A_144 = arith.constant 1 : i32
      %jit3A_145 = arith.constant 0 : i32
      %select_n3A_146 = arith.select %and3A, %jit3A_144, %jit3A_145 : i32
      %add3A_147 = arith.addi %scan3A_53, %select_n3A_146 : i32
      %jit3A_148 = arith.constant 1 : i32
      %select_n3A_149 = arith.select %lt3A_124, %jit3A_148, %scan3A_54 : i32
      scf.yield %add3A_147, %select_n3A_149 : i32, i32
    }
    %scan3A_48 = arith.constant 1001 : i32
    %eq3A = arith.constant 0 : i32
    %eq3A_49 = arith.cmpi eq, %arg1, %eq3A : i32
    %convert_element_type3A_50 = arith.extui %eq3A_49 : i1 to i32
    %cond3A = arith.constant 0 : i32
    %cond3A_51 = arith.cmpi ne, %convert_element_type3A_50, %cond3A : i32
    scf.if %cond3A_51 {
      %mul3A_52 = arith.constant 4000 : i32
      %mul3A_53 = arith.muli %arg0, %mul3A_52 : i32
      "tpu.region"() ({
        %run_scoped3A = tpu.sem_alloc : memref<!tpu.dma_semaphore, #tpu.memory_space<semaphore_mem>>
        %dma_start3A = tpu.memref_slice %arg5[%mul3A_53] : memref<8000xf32, #tpu.memory_space<hbm>> -> memref<4000xf32, #tpu.memory_space<hbm>>
        %dma_start3A_56 = tpu.memref_slice %arg5[%mul3A_53] : memref<8000xf32, #tpu.memory_space<hbm>> -> memref<4000xf32, #tpu.memory_space<hbm>>
        tpu.enqueue_dma source(%arg18 : memref<4000xf32, #tpu.memory_space<vmem>>) target(%dma_start3A_56 : memref<4000xf32, #tpu.memory_space<hbm>>) target_semaphore(%run_scoped3A : memref<!tpu.dma_semaphore, #tpu.memory_space<semaphore_mem>>)
        %dma_wait3A = tpu.memref_slice %arg5[%mul3A_53] : memref<8000xf32, #tpu.memory_space<hbm>> -> memref<4000xf32, #tpu.memory_space<hbm>>
        %dma_wait3A_57 = tpu.memref_slice %arg5[%mul3A_53] : memref<8000xf32, #tpu.memory_space<hbm>> -> memref<4000xf32, #tpu.memory_space<hbm>>
        tpu.wait_dma2 semaphore(%run_scoped3A : memref<!tpu.dma_semaphore, #tpu.memory_space<semaphore_mem>>) src(%arg18 : memref<4000xf32, #tpu.memory_space<vmem>>) dst(%dma_wait3A_57 : memref<4000xf32, #tpu.memory_space<hbm>>)
        tpu.yield
      }) : () -> ()
      %mul3A_54 = arith.constant 1000 : i32
      %mul3A_55 = arith.muli %arg0, %mul3A_54 : i32
      "tpu.region"() ({
        %run_scoped3A = tpu.sem_alloc : memref<!tpu.dma_semaphore, #tpu.memory_space<semaphore_mem>>
        %dma_start3A = tpu.memref_slice %arg6[%mul3A_55] : memref<2000xf32, #tpu.memory_space<hbm>> -> memref<1000xf32, #tpu.memory_space<hbm>>
        %dma_start3A_56 = tpu.memref_slice %arg6[%mul3A_55] : memref<2000xf32, #tpu.memory_space<hbm>> -> memref<1000xf32, #tpu.memory_space<hbm>>
        tpu.enqueue_dma source(%arg19 : memref<1000xf32, #tpu.memory_space<vmem>>) target(%dma_start3A_56 : memref<1000xf32, #tpu.memory_space<hbm>>) target_semaphore(%run_scoped3A : memref<!tpu.dma_semaphore, #tpu.memory_space<semaphore_mem>>)
        %dma_wait3A = tpu.memref_slice %arg6[%mul3A_55] : memref<2000xf32, #tpu.memory_space<hbm>> -> memref<1000xf32, #tpu.memory_space<hbm>>
        %dma_wait3A_57 = tpu.memref_slice %arg6[%mul3A_55] : memref<2000xf32, #tpu.memory_space<hbm>> -> memref<1000xf32, #tpu.memory_space<hbm>>
        tpu.wait_dma2 semaphore(%run_scoped3A : memref<!tpu.dma_semaphore, #tpu.memory_space<semaphore_mem>>) src(%arg19 : memref<1000xf32, #tpu.memory_space<vmem>>) dst(%dma_wait3A_57 : memref<1000xf32, #tpu.memory_space<hbm>>)
        tpu.yield
      }) : () -> ()
    } else {
    }
    return
  }
}

</mosaic_0001>

<sc_bundles>
// kernel: branch_1_fun.5.cloned.1.call-start
scs
__scs_entry_jumppad:
0x0: {  	(pc) =	sbr.rel $0x88, $3  }
0x1: {  	(tag) =	ssettag $0x0;
	lr =	simm.s32 $0x1  }
0x2: {  	[smem:$0x3F9A] =	sst lr;
	_ =	strace $0xD0000000  }
0x3: {  	_ = 	snop  }
0x4: {  	_ = 	snop  }
0x5: {  	_ = 	snop  }
0x6: {  	_ = 	snop  }
0x7: {  	_ = 	snop  }
__scs_overlays_trampoline_lowered:
0x8: {  	[smem:$0x3FA9] =	sst s0  }
0x9: {  	[smem:$0x3FAA] =	sst s1  }
0xa: {  	[smem:$0x3FAB] =	sst s2  }
0xb: {  	[smem:$0x3FAC] =	sst s3  }
0xc: {  	[smem:$0x3FAD] =	sst s4  }
0xd: {  	[smem:$0x3FAE] =	sst s5  }
0xe: {  	[smem:$0x3FAF] =	sst s6  }
0xf: {  	[smem:$0x3FB0] =	sst s7  }
0x10: {  	[smem:$0x3FB1] =	sst s8  }
0x11: {  	[smem:$0x3FB2] =	sst s9;
	s0 =	simm.s32 @!p0 $0x0  }
0x12: {  	s1 =	sld [smem:$0x3F98];
	s0 =	simm.s32 @p0 $0x1  }
0x13: {  	[smem:$0x3FB3] =	sst s0;
	s0 =	simm.s32 @!p1 $0x0  }
0x14: {  	s2 =	sld [smem:$0x3F97];
	s0 =	simm.s32 @p1 $0x1  }
0x15: {  	[smem:$0x3FB4] =	sst s0;
	s0 =	simm.s32 @!p2 $0x0  }
0x16: {  	s3 =	sld [smem:$0x3FDB];
	s0 =	simm.s32 @p2 $0x1  }
0x17: {  	s4 =	simm.s32 $0x1BF5;
	[smem:$0x3FB6] =	sst s0  }
0x18: {  	s0 =	sld [smem:$0x3F99];
	_ =	swait.ge [sflag:s4], $0x0  }
0x19: {  	s7 =	sld [smem:$0x3F9A]  }
0x1a: {  	s8 =	sadd.s32 $0xFFFFE003, lr  }
0x1b: {  	s9 =	sadd.s32 $0xFFFFFEF7, lr;
	s5 =	simm.s32 $0xFFFFFFFF;
	p2 =	slt.u32 s8, $0xFFFFF086  }
0x1c: {  	p1 =	slt.u32 s9, $0xF7A;
	s5 =	simm.s32 @!p2 $0x0  }
0x1d: {  	s5 =	simm.s32 @p1 $0x1;
	p0 =	seq.s32 s7, s2  }
0x1e: {  	s7 =	smul.u32 @!p0 $0xF7A, s2;
	p2 =	seq.s32 @!p0 s5, $0x0  }
0x1f: {  	s9 =	smul.u32 $0xF7A, s1;
	s8 =	simm.s32 @!p0 $0x1BF5;
	p2 =	por !p2, p0  }
0x20: {  	[sflag:s8] =	ssyncset.s32 @!p0 $0xFFFFF086;
	s6 =	sadd.s32 @!p0 s3, s7;
	s7 =	simm.s32 @!p0 $0x108  }
0x21: {  	s3 =	sadd.s32 s3, s9;
	s6 =	sadd.s32 @!p0 $0x88, s6;
	s7 =	simm.s32 @p2 $0x1082  }
0x22: {  	[simem:s7], [sflag:s8] =	dma.local @!p0 [hbm:s6], $0xF7A  }
0x23: {  	s9 =	sor.u32 $0xD0000000, s2;
	s6 =	simm.s32 $0x108;
	_ =	swait.ge @!p0 [sflag:s8], $0x0  }
0x24: {  	s3 =	sadd.s32 $0x88, s3;
	s6 =	simm.s32 @!p1 $0x1082;
	[sflag:s4] =	ssyncset.s32 $0xFFFFF086  }
0x25: {  	[simem:s6], [sflag:s4] =	dma.local [hbm:s3], $0xF7A  }
0x26: {  	[smem:$0x3F9A] =	sst s1;
	(tag) =	ssettag s2;
	_ =	strace s9  }
0x27: {  	s1 =	sld [smem:$0x3FAA]  }
0x28: {  	s2 =	sld [smem:$0x3FAB]  }
0x29: {  	s4 =	sld [smem:$0x3FAD]  }
0x2a: {  	p0 =	seq.s32 s5, $0x0;
	s5 =	sld [smem:$0x3FAE]  }
0x2b: {  	s6 =	sld [smem:$0x3FAF]  }
0x2c: {  	s7 =	sld [smem:$0x3FB0]  }
0x2d: {  	s3 =	simm.s32 $0x108;
	s8 =	sld [smem:$0x3FB1]  }
0x2e: {  	s3 =	simm.s32 @!p0 $0x1082;
	s9 =	sld [smem:$0x3FB2]  }
0x2f: {  	lr =	sadd.s32 s0, s3;
	s0 =	sld [smem:$0x3FA9]  }
0x30: {  	s3 =	sld [smem:$0x3FAC]  }
0x31: {  	[smem:$0x3FB5] =	sst s10  }
0x32: {  	s10 =	sld [smem:$0x3FB3];
	_ =	sdelay $0x3  }
0x33: {  	p0 =	seq.s32 s10, $0x1;
	s10 =	sld [smem:$0x3FB5];
	_ =	sdelay $0x3  }
0x34: {  	[smem:$0x3FB5] =	sst s10  }
0x35: {  	s10 =	sld [smem:$0x3FB4];
	_ =	sdelay $0x3  }
0x36: {  	p1 =	seq.s32 s10, $0x1;
	s10 =	sld [smem:$0x3FB5];
	_ =	sdelay $0x3  }
0x37: {  	[smem:$0x3FB5] =	sst s10  }
0x38: {  	s10 =	sld [smem:$0x3FB6]  }
0x39: {  	_ = 	snop;
	(pc) =	sbr.ind lr, $3  }
0x3a: {  	_ = 	snop  }
0x3b: {  	_ = 	snop  }
0x3c: {  	p2 =	seq.s32 s10, $0x1;
	s10 =	sld [smem:$0x3FB5]  }
0x3d: {  	_ =	shalt  }
0x3e: {  	_ =	shalt  }
0x3f: {  	_ =	shalt  }
0x40: {  	_ =	shalt  }
0x41: {  	_ =	shalt  }
0x42: {  	_ =	shalt  }
0x43: {  	_ =	shalt  }
0x44: {  	_ =	shalt  }
0x45: {  	_ =	shalt  }
0x46: {  	_ =	shalt  }
0x47: {  	_ =	shalt  }
0x48: {  	_ =	shalt  }
0x49: {  	_ =	shalt  }
0x4a: {  	_ =	shalt  }
0x4b: {  	_ =	shalt  }
0x4c: {  	_ =	shalt  }
0x4d: {  	_ =	shalt  }
0x4e: {  	_ =	shalt  }
0x4f: {  	_ =	shalt  }
0x50: {  	_ =	shalt  }
0x51: {  	_ =	shalt  }
0x52: {  	_ =	shalt  }
0x53: {  	_ =	shalt  }
0x54: {  	_ =	shalt  }
0x55: {  	_ =	shalt  }
0x56: {  	_ =	shalt  }
0x57: {  	_ =	shalt  }
0x58: {  	_ =	shalt  }
0x59: {  	_ =	shalt  }
0x5a: {  	_ =	shalt  }
0x5b: {  	_ =	shalt  }
0x5c: {  	_ =	shalt  }
0x5d: {  	_ =	shalt  }
0x5e: {  	_ =	shalt  }
0x5f: {  	_ =	shalt  }
0x60: {  	_ =	shalt  }
0x61: {  	_ =	shalt  }
0x62: {  	_ =	shalt  }
0x63: {  	_ =	shalt  }
0x64: {  	_ =	shalt  }
0x65: {  	_ =	shalt  }
0x66: {  	_ =	shalt  }
0x67: {  	_ =	shalt  }
0x68: {  	_ =	shalt  }
0x69: {  	_ =	shalt  }
0x6a: {  	_ =	shalt  }
0x6b: {  	_ =	shalt  }
0x6c: {  	_ =	shalt  }
0x6d: {  	_ =	shalt  }
0x6e: {  	_ =	shalt  }
0x6f: {  	_ =	shalt  }
0x70: {  	_ =	shalt  }
0x71: {  	_ =	shalt  }
0x72: {  	_ =	shalt  }
0x73: {  	_ =	shalt  }
0x74: {  	_ =	shalt  }
0x75: {  	_ =	shalt  }
0x76: {  	_ =	shalt  }
0x77: {  	_ =	shalt  }
0x78: {  	_ =	shalt  }
0x79: {  	_ =	shalt  }
0x7a: {  	_ =	shalt  }
0x7b: {  	_ =	shalt  }
0x7c: {  	_ =	shalt  }
0x7d: {  	_ =	shalt  }
0x7e: {  	_ =	shalt  }
0x7f: {  	_ =	shalt  }
0x80: {  	_ =	shalt  }
0x81: {  	_ =	shalt  }
0x82: {  	_ =	shalt  }
0x83: {  	_ =	shalt  }
0x84: {  	_ =	shalt  }
0x85: {  	_ =	shalt  }
0x86: {  	_ =	shalt  }
0x87: {  	_ =	shalt  }
.Lfunc_end0:
.L_simem_size_0:
called_computation_lowered:
.L_overlay_start_0:
0x88: {  	s2 =	sld [smem:$0x3FD9]  }
0x89: {  	s3 =	sld [smem:$0x3FFE];
	_ =	sdelay $0x1  }
0x8a: {  	s1 =	srdreg.scid  }
0x8b: {  	s0 =	sand.u32 $0x1, s1  }
0x8c: {  	s14 =	sshll.u32 s0, $0xA;
	s2 =	sadd.s32 s3, s2  }
0x8d: {  	s2 =	sadd.s32 s2, s14  }
0x8e: {  	[smem:$0x3FC1] =	sst s2  }
0x8f: {  	_ = 	snop  }
0x90: {  	s2 =	sld [smem:$0x3FD0];
	_ =	sdelay $0x2  }
0x91: {  	s15 =	simm.s32 $0xA;
	s4 =	simm.s32 $0x10  }
0x92: {  	[smem:s4], [sflag:s15] =	dma.local [hbm:s2], $0x1  }
0x93: {  	_ =	swait.eq [sflag:s15], $0x1  }
0x94: {  	[sflag:s15] =	ssyncset.done $0x0  }
0x95: {  	s16 =	sld [smem:$0x10];
	[sflag:s15] =	ssyncadd.s32 $0xFFFFFFFF  }
0x96: {  	s17 =	sld [smem:$0x11];
	(tm) =	ssettm $0x1  }
0x97: {  	s18 =	sld [smem:$0x3FFB];
	_ =	sdelay $0x3  }
0x98: {  	_ =	strace s18  }
0x99: {  	s4 =	sld [smem:$0x3FFC];
	_ =	sdelay $0x3  }
0x9a: {  	_ =	strace s4  }
0x9b: {  	s4 =	sld [smem:$0x3FFD];
	_ =	sdelay $0x3  }
0x9c: {  	_ =	strace s4  }
0x9d: {  	_ =	strace $0x8FFFFFFF  }
0x9e: {  	s19 =	sld [smem:$0x3FDB];
	_ =	sdelay $0x1  }
0x9f: {  	s5 =	simm.s32 $_scs_section_size  }
0xa0: {  	s6 =	simm.s32 $_size__tile_overlayer_lowered;
	s7 =	simm.s32 $_tile_overlayer_lowered  }
0xa1: {  	s22 =	simm.s32 $0x1BFF;
	s21 =	sshll.u32 s7, $0x1;
	s4 =	sadd.s32 s5, s19  }
0xa2: {  	s8 =	simm.s32 $0x0;
	s20 =	sshll.u32 s6, $0x1;
	s6 =	sadd.s32 s21, s4  }
0xa3: {  	[timem:s8], [sflag:s22] =	dma.local [hbm:s6], s20  }
0xa4: {  	_ =	swait.ge [sflag:s22], s20  }
0xa5: {  	s5 =	ssub.s32 $0x0, s20;
	[sflag:s22] =	ssyncset.done $0x0  }
0xa6: {  	[sflag:s22] =	ssyncadd.s32 s5;
	_ =	sdelay $0x1  }
0xa7: {  	s23 =	simm.s32 $0x1B8B  }
0xa8: {  	_ =	swait.ge [sflag:s23], $0x1  }
0xa9: {  	[sflag:s23] =	ssyncset.done $0x0  }
0xaa: {  	s25 =	simm.s32 $0x1B8E;
	s24 =	sld [smem:$0x3FFE];
	[sflag:s23] =	ssyncadd.s32 $0xFFFFFFFF  }
0xab: {  	s26 =	simm.s32 $execute0_lowered;
	[smem:$0x3FD2] =	sst s25  }
0xac: {  	s6 =	sshll.u32 s26, $0x1;
	_ =	strace $0x80000046;
	[dreg:$0x1] =	wrdreg $0xFFFFFFFF  }
0xad: {  	s28 =	simm.s32 $_size_execute0_lowered;
	s4 =	sadd.s32 s4, s6;
	[dreg:$0x0] =	wrdreg $0x0  }
0xae: {  	s6 =	sshll.u32 s28, $0x1;
	[dreg:$0x2] =	wrdreg s4  }
0xaf: {  	[dreg:$0x3] =	wrdreg s6  }
0xb0: {  	[dreg:$0x4] =	wrdreg $0xC0  }
0xb1: {  	_ =	task [dreg:s8], $0x5FFFF  }
0xb2: {  	[dreg:$0x1] =	wrdreg $0xFFFFFFFF  }
0xb3: {  	[dreg:$0x0] =	wrdreg $0x60  }
0xb4: {  	[dreg:$0x2] =	wrdreg s24  }
0xb5: {  	[dreg:$0x3] =	wrdreg s16  }
0xb6: {  	[dreg:$0x4] =	wrdreg s17  }
0xb7: {  	[dreg:$0x5] =	wrdreg $0x15A000  }
0xb8: {  	[dreg:$0x6] =	wrdreg $0x9  }
0xb9: {  	_ =	task.clear_ibuf [dreg:s8], $0x7FFFF;
	_ =	strace $0x90000046  }
0xba: {  	s29 =	simm.s32 $0x9;
	_ =	strace $0x80000048  }
0xbb: {  	_ =	swait.ge [sflag:s29], $0x1  }
0xbc: {  	[sflag:s29] =	ssyncadd.s32 $0xFFFFFFFF  }
0xbd: {  	_ =	strace $0x90000048  }
0xbe: {  	_ =	sfence  }
0xbf: {  	s30 =	sld [smem:$0x0];
	_ =	sdelay $0x2  }
0xc0: {  	s31 =	sshll.u32 s1, $0xD;
	s1 =	sshrl.u32 s1, $0x2  }
0xc1: {  	s3 =	sand.u32 $0x4000, s31;
	s1 =	sadd.s32 s1, s30  }
0xc2: {  	s0 =	sor.u32 s3, s0;
	s1 =	sshll.u32 s1, $0x11  }
0xc3: {  	s0 =	sor.u32 s1, s0  }
0xc4: {  	s0 =	sadd.s32 $0x8F2B, s0  }
0xc5: {  	[sflag:s0] =	ssyncadd.remote.s32 $0x1  }
0xc6: {  	_ =	sfence.sel $0xFFFF  }
0xc7: {  	[dreg:$0x0] =	wrdreg $0xFFFFFFFF;
	(pc) =	sbr.abs _section_cstart, $3  }
0xc8: {  	[dreg:$0x1] =	wrdreg $0xFFFFFFFF  }
0xc9: {  	_ =	task.clear_ibuf [dreg:s8], $0x2FFFF;
	_ =	strace $0x9FFFFFFF  }
0xca: {  	(tm) =	ssettm $0x7FFFFFFF  }
0xcb: {  	_ =	shalt  }
tec
execute0_lowered:
.L_overlay_start_1:
0x0: {  	(tag) =	ssettag $0x1  }
0x1: {  	s0 =	rddreg [dreg:$0x0]  }
0x2: {  	s3 =	rddreg [dreg:$0x1]  }
0x3: {  	s4 =	rddreg [dreg:$0x2]  }
0x4: {  	s1 =	rddreg [dreg:$0x3]  }
0x5: {  	s5 =	srdreg.scid;
	s2 =	simm.s32 $0x0;
	s10 =	stileid.u32  }
0x6: {  	s28 =	simm.s32 $0x9000;
	s31 =	simm.s32 $0x0;
	s5 =	sand.u32 $0x1, s5  }
0x7: {  	[smem:$0x7FF] =	sst s2;
	s9 =	sadd.s32 $0x5A00, s0;
	s30 =	smul.u32 $0x240, s10  }
0x8: {  	s19 =	sadd.s32 $0x5E80, s0;
	s20 =	sadd.s32 $0x6300, s0;
	s11 =	sshll.u32 s10, $0x3  }
0x9: {  	s23 =	smul.u32 $0x900, s10;
	p1 =	seq.s32 s10, $0x0;
	p0 =	sne.s32 s10, $0x0  }
0xa: {  	s6 =	smul.u32 $0x9000, s5;
	_ =	strace $0x80000047;
	[dreg:$0x5] =	wrdreg s9  }
0xb: {  	s7 =	smul.u32 $0x480, s5;
	s8 =	ssub.s32 $0x2, s5;
	[dreg:$0xa] =	wrdreg s19  }
0xc: {  	[dreg:$0xb] =	wrdreg s20;
	s21 =	smul.u32 $0x1F4, s5;
	s22 =	sadd.s32 s11, s1  }
0xd: {  	s5 =	smul.u32 $0x7D, s5;
	[dreg:$0xd] =	wrdreg s22;
	s24 =	sadd.s32 $0x80, s22  }
0xe: {  	s15 =	sshrl.u32 s8, $0x1;
	s25 =	sadd.s32 $0x240, s30;
	[dreg:$0xf] =	wrdreg s24  }
0xf: {  	s6 =	sshrl.u32 s6, $0x3;
	[dreg:$0x10] =	wrdreg s25;
	s3 =	sadd.s32 s3, s21  }
0x10: {  	s7 =	sadd.s32 s7, s0;
	s26 =	sadd.s32 s4, s5;
	[dreg:$0x11] =	wrdreg s3  }
0x11: {  	s6 =	sadd.s32 s6, s0;
	s0 =	sadd.s32 $0x6780, s0;
	[dreg:$0x12] =	wrdreg s26  }
0x12: {  	s8 =	ssub.s32 s8, s15;
	s7 =	sadd.s32 $0x5000, s7;
	[dreg:$0xc] =	wrdreg s0  }
0x13: {  	s21 =	sor.u32 $0x10, s30;
	s29 =	smax.u32 s8, $0x1;
	[dreg:$0xe] =	wrdreg s7  }
0x14: {  	s25 =	simm.s32 $0x4800;
	s16 =	sadd.s32 $0x2C00, s6;
	[dreg:$0x13] =	wrdreg s29  }
.Ltmp0:
0x15: {  	v0 =	vlaneseq.u32;
	v1 =	vimm.f32 $-1.000000020e+30;
	v3 =	vimm.s32 $0x0;
	s17 =	sadd.s32 $0x3080, s6;
	[dreg:$0x6] =	wrdreg s16;
	(pc) =	sbr.rel .LBB2_1-.Ltmp0, $4  }
0x16: {  	v5 =	vimm.s32 $0x3020100;
	vm0 =	vcmask $0x704;
	v4 =	vmul.u32 $0x8, v0;
	s26 =	simm.s32 $0x6C00;
	s18 =	sadd.s32 $0x3500, s6;
	[dreg:$0x7] =	wrdreg s17  }
0x17: {  	vm1 =	vcmask $0x3F04;
	vm2 =	vcmask $0x3F0C;
	v6 =	vunpack.c.0.s8.s32 v5;
	s6 =	sadd.s32 $0x3980, s6;
	s0 =	sshrl.u32 s23, $0x2;
	[dreg:$0x8] =	wrdreg s18  }
0x18: {  	vm4 =	vcmask $0xF00;
	vm3 =	vcmask $0x3F08;
	v5 =	vor.u32 $0x1, v4;
	s23 =	simm.s32 $0x1;
	[dreg:$0x9] =	wrdreg s6;
	s20 =	sadd.s32 $0xB410, s0  }
0x19: {  	v6 =	vnsel vm4, $0x3, v6;
	vm4 =	vmmov $0x1;
	s22 =	sadd.s32 $0xD810, s0;
	v2 =	vmov s0;
	s17 =	simm.s32 $0x14480;
	s18 =	simm.s32 $0x14400  }
.LBB2_26:
.Ltmp1:
0x1a: {  	(pc) =	sbr.rel @!p0 .LBB2_27-.Ltmp1, $1  }
0x1b: {  	_ =	sdelay $0x3  }
.LBB2_28:
0x1c: {  	s31 =	sadd.s32 $0x1, s31;
	s0 =	rddreg [dreg:$0x13]  }
0x1d: {  	p2 =	sne.s32 s31, s0  }
.Ltmp2:
0x1e: {  	_ = 	snop;
	(pc) =	sbr.rel @!p2 .LBB2_29-.Ltmp2, $1  }
0x1f: {  	_ =	sdelay $0x3  }
.LBB2_1:
0x20: {  	s0 =	rddreg [dreg:$0x6]  }
0x21: {  	[tilespmem:s2], [sflag:$0x1] =	stream.linear.gather [hbm4b:s0+s2], $0x2400, $0x38;
	[tilespmem:$0x15A10] =	vst v63  }
0x22: {  	_ =	swait.ge [sflag:s23], $0x2400  }
0x23: {  	[sflag:s23] =	ssyncset.done $0x0  }
0x24: {  	s3 =	simm.s32 $0x2400;
	s7 =	rddreg [dreg:$0x7];
	[sflag:s23] =	ssyncadd.s32 $0xFFFFDC00  }
0x25: {  	[tilespmem:s3], [sflag:$0x1] =	stream.linear.gather [hbm4b:s7+s2], $0x2400, $0x38;
	[tilespmem:$0x15A10] =	vst v63  }
0x26: {  	_ =	swait.ge [sflag:s23], $0x2400  }
0x27: {  	[sflag:s23] =	ssyncset.done $0x0  }
0x28: {  	s8 =	rddreg [dreg:$0x8];
	[sflag:s23] =	ssyncadd.s32 $0xFFFFDC00  }
0x29: {  	[tilespmem:s25], [sflag:$0x1] =	stream.linear.gather [hbm4b:s8+s2], $0x2400, $0x38;
	[tilespmem:$0x15A10] =	vst v63  }
0x2a: {  	_ =	swait.ge [sflag:s23], $0x2400  }
0x2b: {  	[sflag:s23] =	ssyncset.done $0x0  }
0x2c: {  	s9 =	rddreg [dreg:$0x9];
	[sflag:s23] =	ssyncadd.s32 $0xFFFFDC00  }
0x2d: {  	[tilespmem:s26], [sflag:$0x1] =	stream.linear.gather [hbm4b:s9+s2], $0x2400, $0x38;
	[tilespmem:$0x15A10] =	vst v63  }
0x2e: {  	_ =	swait.ge [sflag:s23], $0x2400  }
0x2f: {  	[sflag:s23] =	ssyncset.done $0x0  }
0x30: {  	s10 =	rddreg [dreg:$0x5];
	[sflag:s23] =	ssyncadd.s32 $0xFFFFDC00  }
0x31: {  	[tilespmem:s28], [sflag:$0x1] =	stream.linear.gather [hbm4b:s10+s2], $0x2400, $0x38;
	[tilespmem:$0x15A10] =	vst v63  }
0x32: {  	_ =	swait.ge [sflag:s23], $0x2400  }
0x33: {  	[sflag:s23] =	ssyncset.done $0x0  }
0x34: {  	s13 =	simm.s32 $0xB400;
	s12 =	rddreg [dreg:$0xa];
	[sflag:s23] =	ssyncadd.s32 $0xFFFFDC00  }
0x35: {  	[tilespmem:s13], [sflag:$0x1] =	stream.linear.gather [hbm4b:s12+s2], $0x2400, $0x38;
	[tilespmem:$0x15A10] =	vst v63  }
0x36: {  	_ =	swait.ge [sflag:s23], $0x2400  }
0x37: {  	[sflag:s23] =	ssyncset.done $0x0  }
0x38: {  	s15 =	simm.s32 $0xD800;
	s14 =	rddreg [dreg:$0xb];
	[sflag:s23] =	ssyncadd.s32 $0xFFFFDC00  }
0x39: {  	[tilespmem:s15], [sflag:$0x1] =	stream.linear.gather [hbm4b:s14+s2], $0x2400, $0x38;
	[tilespmem:$0x15A10] =	vst v63  }
0x3a: {  	_ =	swait.ge [sflag:s23], $0x2400  }
0x3b: {  	[sflag:s23] =	ssyncset.done $0x0  }
0x3c: {  	s19 =	simm.s32 $0xFC00;
	s16 =	rddreg [dreg:$0xc];
	[sflag:s23] =	ssyncadd.s32 $0xFFFFDC00  }
0x3d: {  	[tilespmem:s19], [sflag:$0x1] =	stream.linear.gather [hbm4b:s16+s2], $0x2400, $0x38;
	[tilespmem:$0x15A10] =	vst v63  }
0x3e: {  	_ =	swait.ge [sflag:s23], $0x2400  }
0x3f: {  	[sflag:s23] =	ssyncset.done $0x0  }
0x40: {  	s29 =	simm.s32 $0x12000;
	s24 =	rddreg [dreg:$0xe];
	[sflag:s23] =	ssyncadd.s32 $0xFFFFDC00  }
0x41: {  	[tilespmem:s29], [sflag:$0x1] =	stream.linear.gather [hbm4b:s24+s2], $0x2400, $0x38;
	[tilespmem:$0x15A10] =	vst v63  }
0x42: {  	_ =	swait.ge [sflag:s23], $0x2400  }
0x43: {  	[sflag:s23] =	ssyncset.done $0x0  }
0x44: {  	s0 =	simm.s32 $0x0;
	[sflag:s23] =	ssyncadd.s32 $0xFFFFDC00  }
0x45: {  	v7 =	vld [tilespmem:s0+$0x4800];
	_ =	sdelay $0x4  }
0x46: {  	v8 =	vld [tilespmem:s0+$0x6C00];
	v7 =	vmin.f32 v7, $4.135166650e+00  }
0x47: {  	v7 =	vmul.f32 $1.442695020e+00, v7;
	_ =	sdelay $0x1  }
0x48: {  	(erf) = vpow2.f32 v7;
	_ =	sdelay $0x1  }
0x49: {  	v7 =	vmin.f32 v8, $4.135166650e+00  }
0x4a: {  	v7 =	vmul.f32 $1.442695020e+00, v7  }
0x4b: {  	v9 =	vld [tilespmem:s0+$0x9000]  }
0x4c: {  	v8 =	vld [tilespmem:s0+$0x0];
	(erf) = vpow2.f32 v7;
	_ =	sdelay $0x1  }
0x4d: {  	v7 =	vld [tilespmem:s0+$0xD800];
	_ =	sdelay $0x1  }
0x4e: {  	v10 =	vld [tilespmem:s0+$0x2400];
	v11 =	vpop (erf)  }
0x4f: {  	v12 =	vld [tilespmem:s0+$0xB400];
	v8 =	vmul.f32 v9, v8;
	v9 =	vmul.f32 v11, v9;
	_ =	sdelay $0x1  }
0x50: {  	v7 =	vadd.f32 v7, v8;
	v11 =	vld [tilespmem:s0+$0xFC00];
	v8 =	vmul.f32 $5.000000000e-01, v9;
	_ =	sdelay $0x1  }
0x51: {  	v13 =	vpop (erf);
	v9 =	vadd.f32 v8, v7  }
0x52: {  	v10 =	vmul.f32 v12, v10;
	v12 =	vmul.f32 v13, v12  }
0x53: {  	v8 =	vsub.f32 v7, v8;
	v9 =	vmax.f32 v9, $0.0e+00  }
0x54: {  	v11 =	vadd.f32 v11, v10;
	v12 =	vmul.f32 $5.000000000e-01, v12;
	v9 =	vmin.f32 v9, $5.120000000e+02  }
0x55: {  	s3 =	simm.s32 $0x10;
	v8 =	vmax.f32 v8, $0.0e+00;
	[tilespmem:s0+$0x4800] =	vst v9  }
0x56: {  	v8 =	vmin.f32 v8, $5.120000000e+02;
	v13 =	vsub.f32 v11, v12;
	v11 =	vadd.f32 v12, v11;
	v10 =	vld [tilespmem:s3+$0x4800]  }
0x57: {  	v14 =	vor.u32 s2, v0;
	v7 =	vld [tilespmem:s0+$0x12000];
	v9 =	vsub.f32 v9, v8;
	[tilespmem:s0+$0x0] =	vst v8  }
0x58: {  	s5 =	simm.s32 $0x80;
	s4 =	simm.s32 $0x0;
	v12 =	vmax.f32 v13, $0.0e+00;
	v13 =	vmax.f32 v11, $0.0e+00;
	v11 =	vcvt.s32.f32 v14;
	v8 =	vld [tilespmem:s3+$0x12000]  }
.LBB2_2:
0x59: {  	p2 =	sne.s32 s5, $0x8FC0  }
0x5a: {  	v12 =	vmin.f32 v12, $5.120000000e+02;
	v13 =	vmin.f32 v13, $5.120000000e+02;
	s4 =	sadd.s32 $0x10, s4;
	s6 =	smov.u32 s5;
	s5 =	sadd.s32 $0x40, s5  }
0x5b: {  	v10 =	vmin.f32 v10, $4.135166650e+00;
	v14 =	vsub.f32 v13, v12;
	v11 =	vadd.f32 $2.000000000e+00, v11;
	[tilespmem:s0+$0x6C00] =	vst v13  }
0x5c: {  	vm5 =	vge.f32 v9, $9.999999770e-03;
	v9 =	vmax.f32 v9, $0.0e+00;
	v13 =	vld [tilespmem:s3+$0x6C00];
	v10 =	vmul.f32 $1.442695020e+00, v10;
	[tilespmem:s0+$0x2400] =	vst v12  }
0x5d: {  	vm6 =	vge.f32 v14, $9.999999770e-03;
	v12 =	vmax.f32 v14, $0.0e+00;
	v11 =	vsub.f32 $0.0e+00, v11  }
0x5e: {  	(erf) = vpow2.f32 v10;
	vm5 =	vmand vm5, vm6;
	v9 =	vmul.f32 v12, v9  }
0x5f: {  	v10 =	vnsel vm5, $0xF149F2CA, v7;
	v11 =	vsel vm5, $0xF149F2CA, v11;
	v7 =	vmov v8  }
0x60: {  	[tilespmem:s0+$0x9000] =	vst v9  }
0x61: {  	v8 =	vmin.f32 v13, $4.135166650e+00;
	[tilespmem:s0+$0xD800] =	vst v11  }
0x62: {  	v9 =	vld [tilespmem:s3+$0x0];
	v8 =	vmul.f32 $1.442695020e+00, v8;
	[tilespmem:s0+$0xB400] =	vst v10;
	s0 =	smov.u32 s3  }
0x63: {  	v10 =	vld [tilespmem:s0+$0x9000]  }
0x64: {  	(erf) = vpow2.f32 v8  }
0x65: {  	v8 =	vld [tilespmem:s0+$0xD800]  }
0x66: {  	v11 =	vld [tilespmem:s0+$0x2400]  }
0x67: {  	v12 =	vld [tilespmem:s0+$0xB400];
	v13 =	vpop (erf)  }
0x68: {  	v9 =	vmul.f32 v10, v9;
	v10 =	vmul.f32 v13, v10;
	_ =	sdelay $0x1  }
0x69: {  	v13 =	vld [tilespmem:s0+$0xFC00];
	v8 =	vadd.f32 v8, v9;
	v9 =	vmul.f32 $5.000000000e-01, v10;
	_ =	sdelay $0x1  }
0x6a: {  	v10 =	vsub.f32 v8, v9;
	v8 =	vadd.f32 v9, v8  }
0x6b: {  	v9 =	vmul.f32 v12, v11;
	v11 =	vpop (erf)  }
0x6c: {  	v11 =	vmul.f32 v11, v12;
	v10 =	vmax.f32 v10, $0.0e+00;
	v8 =	vmax.f32 v8, $0.0e+00  }
0x6d: {  	v12 =	vadd.f32 v13, v9;
	v13 =	vmin.f32 v10, $5.120000000e+02;
	v8 =	vmin.f32 v8, $5.120000000e+02  }
.Ltmp3:
0x6e: {  	s3 =	sshra.s32 s6, $0x2;
	v11 =	vmul.f32 $5.000000000e-01, v11;
	v9 =	vsub.f32 v8, v13;
	[tilespmem:s0+$0x4800] =	vst v8;
	(pc) =	sbr.rel @p2 .LBB2_2-.Ltmp3, $4  }
0x6f: {  	v10 =	vld [tilespmem:s3+$0x4800];
	[tilespmem:s0+$0x0] =	vst v13  }
0x70: {  	v8 =	vld [tilespmem:s3+$0x12000];
	v13 =	vsub.f32 v12, v11;
	v11 =	vadd.f32 v11, v12  }
0x71: {  	v14 =	vor.u32 s4, v0  }
0x72: {  	v12 =	vmax.f32 v13, $0.0e+00;
	v13 =	vmax.f32 v11, $0.0e+00;
	v11 =	vcvt.s32.f32 v14  }
0x73: {  	v13 =	vmin.f32 v13, $5.120000000e+02  }
0x74: {  	v12 =	vmin.f32 v12, $5.120000000e+02;
	[tilespmem:s0+$0x6C00] =	vst v13  }
0x75: {  	v13 =	vsub.f32 v13, v12;
	v14 =	vld [tilespmem:s3+$0x6C00]  }
0x76: {  	vm5 =	vge.f32 v9, $9.999999770e-03;
	v10 =	vmin.f32 v10, $4.135166650e+00;
	v11 =	vadd.f32 $2.000000000e+00, v11  }
0x77: {  	v9 =	vmax.f32 v9, $0.0e+00;
	v10 =	vmul.f32 $1.442695020e+00, v10;
	v15 =	vmax.f32 v13, $0.0e+00  }
0x78: {  	vm6 =	vge.f32 v13, $9.999999770e-03;
	v11 =	vsub.f32 $0.0e+00, v11;
	v9 =	vmul.f32 v15, v9  }
0x79: {  	[tilespmem:s0+$0x2400] =	vst v12;
	vm5 =	vmand vm5, vm6  }
0x7a: {  	(erf) = vpow2.f32 v10;
	v11 =	vsel vm5, $0xF149F2CA, v11;
	[tilespmem:s0+$0x9000] =	vst v9;
	v10 =	vmin.f32 v14, $4.135166650e+00  }
0x7b: {  	v7 =	vnsel vm5, $0xF149F2CA, v7;
	[tilespmem:s0+$0xD800] =	vst v11;
	v9 =	vmul.f32 $1.442695020e+00, v10  }
0x7c: {  	v10 =	vld [tilespmem:s3+$0x0];
	[tilespmem:s0+$0xB400] =	vst v7  }
0x7d: {  	v7 =	vld [tilespmem:s3+$0x9000];
	(erf) = vpow2.f32 v9;
	_ =	sdelay $0x2  }
0x7e: {  	v11 =	vld [tilespmem:s3+$0x2400]  }
0x7f: {  	v9 =	vld [tilespmem:s3+$0xD800]  }
0x80: {  	v12 =	vld [tilespmem:s3+$0xB400];
	v10 =	vmul.f32 v7, v10  }
0x81: {  	v58 =	vpop (erf)  }
0x82: {  	v59 =	vld [tilespmem:s3+$0xFC00];
	v7 =	vmul.f32 v58, v7;
	_ =	sdelay $0x1  }
0x83: {  	v9 =	vadd.f32 v9, v10;
	v7 =	vmul.f32 $5.000000000e-01, v7;
	v10 =	vpop (erf)  }
0x84: {  	v11 =	vmul.f32 v12, v11;
	v10 =	vmul.f32 v10, v12  }
0x85: {  	v60 =	vsub.f32 v9, v7  }
0x86: {  	v7 =	vadd.f32 v7, v9;
	v9 =	vadd.f32 v59, v11;
	v10 =	vmul.f32 $5.000000000e-01, v10  }
0x87: {  	v11 =	vmax.f32 v60, $0.0e+00  }
0x88: {  	v7 =	vmax.f32 v7, $0.0e+00;
	v61 =	vsub.f32 v9, v10;
	v9 =	vadd.f32 v10, v9  }
0x89: {  	s24 =	sadd.s32 $0x10, s4;
	v7 =	vmin.f32 v7, $5.120000000e+02;
	v10 =	vmin.f32 v11, $5.120000000e+02  }
0x8a: {  	v11 =	vor.u32 s24, v0;
	v12 =	vmax.f32 v61, $0.0e+00;
	v9 =	vmax.f32 v9, $0.0e+00  }
0x8b: {  	v11 =	vcvt.s32.f32 v11;
	v12 =	vmin.f32 v12, $5.120000000e+02;
	v9 =	vmin.f32 v9, $5.120000000e+02  }
0x8c: {  	v62 =	vsub.f32 v7, v10;
	v63 =	vsub.f32 v9, v12  }
0x8d: {  	[tilespmem:s3+$0x4800] =	vst v7;
	v7 =	vadd.f32 $2.000000000e+00, v11  }
0x8e: {  	[tilespmem:s3+$0x0] =	vst v10;
	vm5 =	vge.f32 v62, $9.999999770e-03;
	v10 =	vmax.f32 v62, $0.0e+00;
	v11 =	vmax.f32 v63, $0.0e+00  }
0x8f: {  	[tilespmem:s3+$0x6C00] =	vst v9;
	v7 =	vsub.f32 $0.0e+00, v7;
	vm6 =	vge.f32 v63, $9.999999770e-03;
	v9 =	vmul.f32 v11, v10  }
0x90: {  	[tilespmem:s3+$0x2400] =	vst v12;
	vm5 =	vmand vm5, vm6  }
0x91: {  	v7 =	vsel vm5, $0xF149F2CA, v7;
	[tilespmem:s3+$0x9000] =	vst v9  }
0x92: {  	v8 =	vnsel vm5, $0xF149F2CA, v8;
	[tilespmem:s3+$0xD800] =	vst v7  }
0x93: {  	[tilespmem:s3+$0xB400] =	vst v8  }
0x94: {  	[tilespmem:$0x15900] =	vst v1  }
0x95: {  	[tilespmem:$0x15980] =	vst v3;
	v8 =	vld [tilespmem:$0x15900]  }
0x96: {  	v9 =	vld [tilespmem:s20+$0xFFFFFFF0];
	_ =	sdelay $0x1  }
0x97: {  	v10 =	vld [tilespmem:$0x15980];
	_ =	sdelay $0x2  }
0x98: {  	s29 =	sadd.s32 $0xFFFFFFF0, s21;
	vm5 =	vgt.f32 v9, v8  }
0x99: {  	v7 =	vor.u32 s29, v0;
	v8 =	vsel vm5, v9, v8  }
0x9a: {  	v9 =	vsel vm5, v7, v10;
	[tilespmem:$0x15900] =	vst v8  }
0x9b: {  	[tilespmem:$0x15980] =	vst v9;
	v8 =	vld [tilespmem:$0x15900]  }
0x9c: {  	v9 =	vld [tilespmem:s20+$0x0]  }
0x9d: {  	v10 =	vld [tilespmem:$0x15980];
	_ =	sdelay $0x3  }
0x9e: {  	s4 =	smov.u32 s21;
	s0 =	simm.s32 $0x0;
	v11 =	vor.u32 s21, v0;
	s3 =	smov.u32 s20;
	vm5 =	vgt.f32 v9, v8  }
.LBB2_4:
0x9f: {  	s0 =	sadd.s32 $0x2, s0;
	v8 =	vsel vm5, v9, v8;
	v9 =	vsel vm5, v11, v10;
	s3 =	sadd.s32 $0x20, s3;
	s4 =	sadd.s32 $0x20, s4  }
0xa0: {  	p2 =	slt.u32 s0, $0x22;
	[tilespmem:$0x15900] =	vst v8  }
0xa1: {  	v8 =	vld [tilespmem:$0x15900];
	[tilespmem:$0x15980] =	vst v9  }
0xa2: {  	v9 =	vld [tilespmem:s3+$0xFFFFFFF0]  }
0xa3: {  	v10 =	vld [tilespmem:$0x15980];
	_ =	sdelay $0x2  }
0xa4: {  	s5 =	sadd.s32 $0xFFFFFFF0, s4  }
0xa5: {  	v11 =	vor.u32 s5, v0;
	vm5 =	vgt.f32 v9, v8  }
0xa6: {  	v8 =	vsel vm5, v9, v8;
	v9 =	vsel vm5, v11, v10  }
0xa7: {  	[tilespmem:$0x15900] =	vst v8  }
0xa8: {  	[tilespmem:$0x15980] =	vst v9;
	v8 =	vld [tilespmem:$0x15900]  }
0xa9: {  	v9 =	vld [tilespmem:s3+$0x0]  }
.Ltmp4:
0xaa: {  	v10 =	vld [tilespmem:$0x15980];
	(pc) =	sbr.rel @p2 .LBB2_4-.Ltmp4, $3  }
0xab: {  	_ =	sdelay $0x1  }
0xac: {  	v11 =	vor.u32 s4, v0  }
0xad: {  	vm5 =	vgt.f32 v9, v8  }
0xae: {  	v8 =	vsel vm5, v9, v8;
	[tilespmem:$0x14480] =	vst v1  }
0xaf: {  	v63 =	vsel vm5, v11, v10;
	[tilespmem:$0x15900] =	vst v8  }
0xb0: {  	s0 =	rddreg [dreg:$0xd];
	[tilespmem:$0x15980] =	vst v63  }
0xb1: {  	[spmem:s0] =	stream.linear.scatter [tilespmem:s17], [sflag:$0x1], $0x8, $0x38;
	[tilespmem:$0x15A10] =	vst v63  }
0xb2: {  	_ =	swait.ge [sflag:s23], $0x8  }
0xb3: {  	[sflag:s23] =	ssyncset.done $0x0  }
0xb4: {  	s29 =	rddreg [dreg:$0xf];
	[sflag:s23] =	ssyncadd.s32 $0xFFFFFFF8  }
0xb5: {  	[spmem:s29] =	stream.linear.scatter [tilespmem:s17], [sflag:$0x1], $0x8, $0x38;
	[tilespmem:$0x15A10] =	vst v63  }
0xb6: {  	_ =	swait.ge [sflag:s23], $0x8  }
0xb7: {  	[sflag:s23] =	ssyncset.done $0x0  }
0xb8: {  	s24 =	simm.s32 $0x0;
	[sflag:s23] =	ssyncadd.s32 $0xFFFFFFF8  }
0xb9: {  	s3 =	simm.s32 $0x0;
	s0 =	simm.s32 $0x0;
	[bflag:$0x0] =	sbarrier.arrive $0xFFFF  }
.LBB2_6:
0xba: {  	p3 =	slt.u32 s24, $0x3E8  }
.LBB2_7:
0xbb: {  	v8 =	vld [tilespmem:$0x15900];
	_ =	sdelay $0x4  }
0xbc: {  	(xrf0) =	vmax.scan.msk.f32 $0xffff, v8;
	_ =	sdelay $0x3  }
0xbd: {  	v9 =	vld [tilespmem:$0x15980];
	_ =	sdelay $0x1  }
0xbe: {  	v10, _, _ =	vpop (xrf0)  }
0xbf: {  	v10 =	vbroadcast v10, $0xF;
	_ =	sdelay $0x1  }
0xc0: {  	vm5 =	veq.f32 v8, v10;
	v8 =	vxor.u32 $0x80000000, v9  }
0xc1: {  	v8 =	vnsel vm5, $0xC0000000, v8  }
0xc2: {  	(xrf0) =	vmin.scan.msk.u32 $0xffff, v8;
	_ =	sdelay $0x5  }
0xc3: {  	v8, _, _ =	vpop (xrf0)  }
0xc4: {  	(v2sf) =	vpush v8, $0xF;
	_ =	sdelay $0xe  }
0xc5: {  	s4 =	spop (v2sf)  }
0xc6: {  	s4 =	sxor.u32 $0x80000000, s4  }
0xc7: {  	v8 =	vmov s4  }
0xc8: {  	v8 =	vbroadcast v8, $0x0  }
0xc9: {  	s19 =	sshll.u32 s3, $0x7  }
0xca: {  	s4 =	sand.u32 $0x80, s19;
	v8 =	vnsel vm0, $0x0, v8  }
0xcb: {  	s4 =	sadd.s32 s4, s1;
	v8 =	vsel vm1, v8, v10  }
0xcc: {  	s5 =	sadd.s32 s11, s4;
	[tilespmem:$0x14480] =	vst v8  }
0xcd: {  	[spmem:s5] =	stream.linear.scatter [tilespmem:s17], [sflag:$0x1], $0x8, $0x38;
	[tilespmem:$0x15A10] =	vst v63  }
0xce: {  	_ =	swait.ge [sflag:s23], $0x8  }
0xcf: {  	[sflag:s23] =	ssyncset.done $0x0  }
0xd0: {  	[sflag:s23] =	ssyncadd.s32 $0xFFFFFFF8  }
0xd1: {  	[bflag:$0x0] =	sbarrier.arrive $0xFFFF  }
0xd2: {  	[tilespmem:s18], [sflag:$0x1] =	stream.linear.gather [spmem:s4], $0x80, $0x38;
	[tilespmem:$0x15A10] =	vst v63  }
0xd3: {  	_ =	swait.ge [sflag:s23], $0x80  }
0xd4: {  	[sflag:s23] =	ssyncset.done $0x0  }
0xd5: {  	[sflag:s23] =	ssyncadd.s32 $0xFFFFFF80  }
0xd6: {  	v8 =	vld.idx.msk [tilespmem:v4+s18+$0x0], $0xffff;
	_ =	sdelay $0x4  }
0xd7: {  	(xrf0) =	vmax.scan.msk.f32 $0xffff, v8;
	_ =	sdelay $0x3  }
0xd8: {  	v9 =	vld.idx.msk [tilespmem:v5+s18+$0x0], $0xffff;
	_ =	sdelay $0x1  }
0xd9: {  	v10, _, _ =	vpop (xrf0)  }
0xda: {  	v11 =	vbroadcast v10, $0xF;
	_ =	sdelay $0x1  }
0xdb: {  	(v2sf) =	vpush v10, $0xF;
	vm5 =	veq.f32 v8, v11;
	v8 =	vxor.u32 $0x80000000, v9  }
0xdc: {  	v8 =	vnsel vm5, $0xC0000000, v8  }
0xdd: {  	(xrf0) =	vmin.scan.msk.u32 $0xffff, v8;
	_ =	sdelay $0x5  }
0xde: {  	v8, _, _ =	vpop (xrf0)  }
0xdf: {  	(v2sf) =	vpush v8, $0xF;
	_ =	sdelay $0x5  }
0xe0: {  	s5 =	spop (v2sf)  }
0xe1: {  	p2 =	slt.f32 s5, $-1.000000020e+29;
	_ =	sdelay $0x1  }
0xe2: {  	p4 =	por !p2, !p2  }
0xe3: {  	p4 =	por !p3, !p4  }
0xe4: {  	p5 =	sne.s32 s0, $0x0;
	p4 =	por !p4, !p4  }
0xe5: {  	p6 =	por p5, !p4  }
.Ltmp5:
0xe6: {  	_ = 	snop;
	(pc) =	sbr.rel @p6 .LBB2_11-.Ltmp5, $4  }
0xe7: {  	_ = 	snop  }
0xe8: {  	s29 =	spop (v2sf)  }
0xe9: {  	s6 =	sxor.u32 $0x80000000, s29  }
0xea: {  	v8 =	vmov s6  }
0xeb: {  	_ =	sdelay $0x3  }
0xec: {  	v11 =	vld.idx.msk [tilespmem:v8+s25+$0x0], $0xffff  }
0xed: {  	v12 =	vld.idx.msk [tilespmem:v8+s26+$0x0], $0xffff  }
0xee: {  	s4 =	simm.s32 $0x0;
	v13 =	vld.idx.msk [tilespmem:v8+s28+$0x0], $0xffff  }
0xef: {  	s7 =	simm.s32 $0x2400;
	v9 =	vld.idx.msk [tilespmem:v8+s4+$0x0], $0xffff  }
0xf0: {  	v10 =	vld.idx.msk [tilespmem:v8+s7+$0x0], $0xffff;
	[tilespmem:$0x15900] =	vst v1  }
0xf1: {  	[tilespmem:$0x15980] =	vst v3  }
0xf2: {  	s8 =	simm.s32 $0x4810;
	v14 =	vld.idx.msk [tilespmem:v2+s4+$0x0 ss:$0x1], $0xffff  }
0xf3: {  	s9 =	simm.s32 $0x6C10;
	v15 =	vld.idx.msk [tilespmem:v2+s8+$0xFFFFFFF0 ss:$0x1], $0xffff  }
0xf4: {  	v16 =	vld.idx.msk [tilespmem:v2+s9+$0xFFFFFFF0 ss:$0x1], $0xffff  }
0xf5: {  	v17 =	vld.idx.msk [tilespmem:v2+s7+$0x0 ss:$0x1], $0xffff;
	_ =	sdelay $0x2  }
0xf6: {  	s10 =	simm.s32 $0x9010  }
0xf7: {  	v18 =	vld.idx.msk [tilespmem:v2+s10+$0xFFFFFFF0 ss:$0x1], $0xffff;
	v14 =	vmax.f32 v9, v14  }
0xf8: {  	v15 =	vmin.f32 v11, v15;
	v17 =	vmax.f32 v10, v17;
	v16 =	vmin.f32 v12, v16  }
0xf9: {  	v14 =	vsub.f32 v15, v14;
	v15 =	vsub.f32 v16, v17;
	_ =	sdelay $0x1  }
0xfa: {  	v14 =	vmax.f32 v14, $0.0e+00;
	v15 =	vmax.f32 v15, $0.0e+00  }
0xfb: {  	v14 =	vmul.f32 v15, v14;
	v15 =	vadd.f32 v18, v13;
	_ =	sdelay $0x1  }
0xfc: {  	v15 =	vsub.f32 v15, v14;
	_ =	sdelay $0x1  }
0xfd: {  	v15 =	vadd.f32 $9.999999960e-13, v15;
	_ =	sdelay $0x1  }
0xfe: {  	(erf) = vrcp.f32 v15;
	_ =	sdelay $0x5  }
0xff: {  	s12 =	simm.s32 $0xB410  }
0x100: {  	s14 =	simm.s32 $0x12010;
	v15 =	vld.idx.msk [tilespmem:v2+s12+$0xFFFFFFF0 ss:$0x1], $0xffff  }
0x101: {  	s15 =	simm.s32 $0xD810;
	v16 =	vld.idx.msk [tilespmem:v2+s14+$0xFFFFFFF0 ss:$0x1], $0xffff  }
0x102: {  	v17 =	vld.idx.msk [tilespmem:v2+s15+$0xFFFFFFF0 ss:$0x1], $0xffff;
	v18 =	vpop (erf)  }
0x103: {  	v14 =	vmul.f32 v18, v14;
	_ =	sdelay $0x1  }
0x104: {  	vm6 =	vgt.f32 v15, $-1.000000020e+29;
	vm5 =	vgt.f32 v14, $6.999999880e-01  }
0x105: {  	vm6 =	vmand vm6, vm5  }
0x106: {  	v14 =	vsel vm6, v16, v17  }
0x107: {  	v15 =	vsel vm5, $0xF149F2CA, v15;
	[tilespmem:v2+s15+$0xFFFFFFF0 ss:$0x1] =	vst.idx.msk $0xffff, v14  }
0x108: {  	[tilespmem:v2+s12+$0xFFFFFFF0 ss:$0x1] =	vst.idx.msk $0xffff, v15  }
0x109: {  	v14 =	vld [tilespmem:$0x15900];
	_ =	sdelay $0x1  }
0x10a: {  	v16 =	vld [tilespmem:$0x15980];
	_ =	sdelay $0x2  }
0x10b: {  	vm5 =	vgt.f32 v15, v14  }
0x10c: {  	v17 =	vor.u32 s30, v0;
	v14 =	vsel vm5, v15, v14  }
0x10d: {  	v15 =	vsel vm5, v17, v16;
	[tilespmem:$0x15900] =	vst v14  }
0x10e: {  	[tilespmem:$0x15980] =	vst v15  }
0x10f: {  	v14 =	vld.idx.msk [tilespmem:v2+s9+$0x0 ss:$0x1], $0xffff  }
0x110: {  	v15 =	vld.idx.msk [tilespmem:v2+s4+$0x10 ss:$0x1], $0xffff  }
0x111: {  	v16 =	vld.idx.msk [tilespmem:v2+s8+$0x0 ss:$0x1], $0xffff  }
0x112: {  	v17 =	vld.idx.msk [tilespmem:v2+s7+$0x10 ss:$0x1], $0xffff;
	_ =	sdelay $0x3  }
0x113: {  	v18 =	vld.idx.msk [tilespmem:v2+s10+$0x0 ss:$0x1], $0xffff;
	v14 =	vmin.f32 v12, v14  }
0x114: {  	v15 =	vmax.f32 v9, v15;
	v16 =	vmin.f32 v11, v16;
	v17 =	vmax.f32 v10, v17  }
0x115: {  	v15 =	vsub.f32 v16, v15;
	v14 =	vsub.f32 v14, v17;
	_ =	sdelay $0x1  }
0x116: {  	v15 =	vmax.f32 v15, $0.0e+00;
	v14 =	vmax.f32 v14, $0.0e+00  }
0x117: {  	v14 =	vmul.f32 v14, v15;
	v15 =	vadd.f32 v18, v13;
	_ =	sdelay $0x1  }
0x118: {  	v15 =	vsub.f32 v15, v14;
	_ =	sdelay $0x1  }
0x119: {  	v15 =	vadd.f32 $9.999999960e-13, v15;
	_ =	sdelay $0x1  }
0x11a: {  	(erf) = vrcp.f32 v15;
	_ =	sdelay $0x6  }
0x11b: {  	v15 =	vld.idx.msk [tilespmem:v2+s12+$0x0 ss:$0x1], $0xffff  }
0x11c: {  	v16 =	vld.idx.msk [tilespmem:v2+s14+$0x0 ss:$0x1], $0xffff  }
0x11d: {  	v17 =	vld.idx.msk [tilespmem:v2+s15+$0x0 ss:$0x1], $0xffff;
	v18 =	vpop (erf)  }
0x11e: {  	v14 =	vmul.f32 v18, v14;
	_ =	sdelay $0x1  }
0x11f: {  	vm6 =	vgt.f32 v15, $-1.000000020e+29;
	vm5 =	vgt.f32 v14, $6.999999880e-01  }
0x120: {  	vm6 =	vmand vm6, vm5  }
0x121: {  	v16 =	vsel vm6, v16, v17  }
0x122: {  	v14 =	vsel vm5, $0xF149F2CA, v15;
	[tilespmem:v2+s15+$0x0 ss:$0x1] =	vst.idx.msk $0xffff, v16  }
0x123: {  	s16 =	simm.s32 $0x4830;
	[tilespmem:v2+s12+$0x0 ss:$0x1] =	vst.idx.msk $0xffff, v14  }
0x124: {  	s19 =	simm.s32 $0x6C30;
	s29 =	simm.s32 $0x9030;
	s8 =	simm.s32 $0x0;
	v15 =	vld [tilespmem:$0x15900]  }
0x125: {  	s9 =	sadd.s32 $0x10, s30;
	s10 =	simm.s32 $0x20;
	s4 =	smov.u32 s30;
	v16 =	vld [tilespmem:$0x15980]  }
0x126: {  	s14 =	simm.s32 $0xD830;
	s15 =	simm.s32 $0x12030;
	s12 =	simm.s32 $0xB430  }
.LBB2_9:
0x127: {  	s8 =	sadd.s32 $0x2, s8;
	s4 =	sadd.s32 $0x20, s4;
	s7 =	sadd.s32 $0x20, s7  }
0x128: {  	s13 =	sadd.s32 $0x10, s4;
	p6 =	slt.u32 s8, $0x22  }
0x129: {  	v17 =	vor.u32 s9, v0;
	vm5 =	vgt.f32 v14, v15;
	s9 =	smov.u32 s13  }
0x12a: {  	v14 =	vsel vm5, v14, v15;
	v15 =	vsel vm5, v17, v16  }
0x12b: {  	[tilespmem:$0x15900] =	vst v14  }
0x12c: {  	[tilespmem:$0x15980] =	vst v15  }
0x12d: {  	v14 =	vld.idx.msk [tilespmem:v2+s10+$0x0 ss:$0x1], $0xffff  }
0x12e: {  	v15 =	vld.idx.msk [tilespmem:v2+s16+$0xFFFFFFF0 ss:$0x1], $0xffff  }
0x12f: {  	v16 =	vld.idx.msk [tilespmem:v2+s19+$0xFFFFFFF0 ss:$0x1], $0xffff  }
0x130: {  	v17 =	vld.idx.msk [tilespmem:v2+s7+$0x0 ss:$0x1], $0xffff;
	_ =	sdelay $0x3  }
0x131: {  	v14 =	vmax.f32 v9, v14;
	v15 =	vmin.f32 v11, v15;
	v18 =	vld.idx.msk [tilespmem:v2+s29+$0xFFFFFFF0 ss:$0x1], $0xffff  }
0x132: {  	v14 =	vsub.f32 v15, v14  }
0x133: {  	v16 =	vmin.f32 v12, v16;
	v15 =	vmax.f32 v10, v17  }
0x134: {  	v15 =	vsub.f32 v16, v15;
	_ =	sdelay $0x1  }
0x135: {  	v14 =	vmax.f32 v14, $0.0e+00;
	v15 =	vmax.f32 v15, $0.0e+00  }
0x136: {  	v14 =	vmul.f32 v15, v14;
	v15 =	vadd.f32 v18, v13;
	_ =	sdelay $0x1  }
0x137: {  	v15 =	vsub.f32 v15, v14;
	_ =	sdelay $0x1  }
0x138: {  	v15 =	vadd.f32 $9.999999960e-13, v15;
	_ =	sdelay $0x1  }
0x139: {  	(erf) = vrcp.f32 v15;
	_ =	sdelay $0x5  }
0x13a: {  	v15 =	vld.idx.msk [tilespmem:v2+s12+$0xFFFFFFF0 ss:$0x1], $0xffff  }
0x13b: {  	v16 =	vld.idx.msk [tilespmem:v2+s15+$0xFFFFFFF0 ss:$0x1], $0xffff  }
0x13c: {  	v17 =	vld.idx.msk [tilespmem:v2+s14+$0xFFFFFFF0 ss:$0x1], $0xffff  }
0x13d: {  	v18 =	vpop (erf)  }
0x13e: {  	v14 =	vmul.f32 v18, v14;
	_ =	sdelay $0x1  }
0x13f: {  	vm6 =	vgt.f32 v15, $-1.000000020e+29;
	vm5 =	vgt.f32 v14, $6.999999880e-01  }
0x140: {  	vm6 =	vmand vm6, vm5  }
0x141: {  	v14 =	vsel vm6, v16, v17  }
0x142: {  	v15 =	vsel vm5, $0xF149F2CA, v15;
	[tilespmem:v2+s14+$0xFFFFFFF0 ss:$0x1] =	vst.idx.msk $0xffff, v14  }
0x143: {  	[tilespmem:v2+s12+$0xFFFFFFF0 ss:$0x1] =	vst.idx.msk $0xffff, v15  }
0x144: {  	v14 =	vld [tilespmem:$0x15900]  }
0x145: {  	v16 =	vld [tilespmem:$0x15980];
	_ =	sdelay $0x3  }
0x146: {  	v17 =	vor.u32 s4, v0;
	vm5 =	vgt.f32 v15, v14  }
0x147: {  	v14 =	vsel vm5, v15, v14;
	v15 =	vsel vm5, v17, v16  }
0x148: {  	[tilespmem:$0x15900] =	vst v14  }
0x149: {  	[tilespmem:$0x15980] =	vst v15  }
0x14a: {  	v14 =	vld.idx.msk [tilespmem:v2+s19+$0x0 ss:$0x1], $0xffff  }
0x14b: {  	v15 =	vld.idx.msk [tilespmem:v2+s10+$0x10 ss:$0x1], $0xffff  }
0x14c: {  	v16 =	vld.idx.msk [tilespmem:v2+s16+$0x0 ss:$0x1], $0xffff  }
0x14d: {  	v17 =	vld.idx.msk [tilespmem:v2+s7+$0x10 ss:$0x1], $0xffff;
	_ =	sdelay $0x2  }
0x14e: {  	v14 =	vmin.f32 v12, v14  }
0x14f: {  	v15 =	vmax.f32 v9, v15;
	v18 =	vld.idx.msk [tilespmem:v2+s29+$0x0 ss:$0x1], $0xffff  }
0x150: {  	v16 =	vmin.f32 v11, v16  }
0x151: {  	v17 =	vmax.f32 v10, v17;
	v15 =	vsub.f32 v16, v15  }
0x152: {  	v14 =	vsub.f32 v14, v17;
	_ =	sdelay $0x1  }
0x153: {  	v15 =	vmax.f32 v15, $0.0e+00;
	v14 =	vmax.f32 v14, $0.0e+00  }
0x154: {  	v14 =	vmul.f32 v14, v15;
	v15 =	vadd.f32 v18, v13;
	_ =	sdelay $0x1  }
0x155: {  	v15 =	vsub.f32 v15, v14;
	_ =	sdelay $0x1  }
0x156: {  	v15 =	vadd.f32 $9.999999960e-13, v15;
	_ =	sdelay $0x1  }
0x157: {  	(erf) = vrcp.f32 v15;
	_ =	sdelay $0x5  }
0x158: {  	v15 =	vld.idx.msk [tilespmem:v2+s12+$0x0 ss:$0x1], $0xffff  }
0x159: {  	v16 =	vld.idx.msk [tilespmem:v2+s15+$0x0 ss:$0x1], $0xffff  }
0x15a: {  	v17 =	vld.idx.msk [tilespmem:v2+s14+$0x0 ss:$0x1], $0xffff  }
0x15b: {  	v18 =	vpop (erf)  }
0x15c: {  	v14 =	vmul.f32 v18, v14;
	_ =	sdelay $0x1  }
0x15d: {  	vm6 =	vgt.f32 v15, $-1.000000020e+29;
	vm5 =	vgt.f32 v14, $6.999999880e-01  }
0x15e: {  	vm6 =	vmand vm6, vm5  }
0x15f: {  	v16 =	vsel vm6, v16, v17  }
.Ltmp6:
0x160: {  	v14 =	vsel vm5, $0xF149F2CA, v15;
	[tilespmem:v2+s14+$0x0 ss:$0x1] =	vst.idx.msk $0xffff, v16;
	(pc) =	sbr.rel @p6 .LBB2_9-.Ltmp6, $4  }
0x161: {  	[tilespmem:v2+s12+$0x0 ss:$0x1] =	vst.idx.msk $0xffff, v14  }
0x162: {  	s10 =	sadd.s32 $0x20, s10;
	v15 =	vld [tilespmem:$0x15900]  }
0x163: {  	s15 =	sadd.s32 $0x20, s15;
	s14 =	sadd.s32 $0x20, s14;
	s12 =	sadd.s32 $0x20, s12;
	v16 =	vld [tilespmem:$0x15980]  }
0x164: {  	s19 =	sadd.s32 $0x20, s19;
	s16 =	sadd.s32 $0x20, s16;
	s29 =	sadd.s32 $0x20, s29  }
0x165: {  	_ =	sdelay $0x1  }
0x166: {  	vm5 =	vgt.f32 v14, v15  }
0x167: {  	v9 =	vor.u32 s9, v0;
	v10 =	vsel vm5, v14, v15  }
0x168: {  	v9 =	vsel vm5, v9, v16;
	[tilespmem:$0x15900] =	vst v10  }
0x169: {  	[tilespmem:$0x15980] =	vst v9  }
.LBB2_11:
0x16a: {  	p6 =	slt.f32 @!p5 s5, $-1.000000020e+29;
	_ =	sdelay $0x1  }
0x16b: {  	p5 =	por p5, !p6  }
.Ltmp7:
0x16c: {  	_ = 	snop;
	(pc) =	sbr.rel @p5 .LBB2_15-.Ltmp7, $1  }
0x16d: {  	_ =	sdelay $0x3  }
0x16e: {  	[tilespmem:$0x15900] =	vst v1  }
0x16f: {  	[tilespmem:$0x15980] =	vst v3;
	v9 =	vld [tilespmem:$0x15900]  }
0x170: {  	v10 =	vld [tilespmem:s22+$0xFFFFFFF0];
	_ =	sdelay $0x1  }
0x171: {  	v11 =	vld [tilespmem:$0x15980];
	_ =	sdelay $0x2  }
0x172: {  	vm5 =	vgt.f32 v10, v9  }
0x173: {  	v9 =	vsel vm5, v10, v9  }
0x174: {  	v10 =	vsel vm5, v7, v11;
	[tilespmem:$0x15900] =	vst v9  }
0x175: {  	[tilespmem:$0x15980] =	vst v10;
	v9 =	vld [tilespmem:$0x15900]  }
0x176: {  	v10 =	vld [tilespmem:s22+$0x0]  }
0x177: {  	v11 =	vld [tilespmem:$0x15980];
	_ =	sdelay $0x3  }
0x178: {  	s4 =	simm.s32 $0x0;
	v12 =	vor.u32 s21, v0;
	s7 =	smov.u32 s22;
	s8 =	smov.u32 s21;
	vm5 =	vgt.f32 v10, v9  }
.LBB2_13:
0x179: {  	s4 =	sadd.s32 $0x2, s4;
	v9 =	vsel vm5, v10, v9;
	v10 =	vsel vm5, v12, v11;
	s7 =	sadd.s32 $0x20, s7;
	s8 =	sadd.s32 $0x20, s8  }
0x17a: {  	p5 =	slt.u32 s4, $0x22;
	[tilespmem:$0x15900] =	vst v9  }
0x17b: {  	v9 =	vld [tilespmem:$0x15900];
	[tilespmem:$0x15980] =	vst v10  }
0x17c: {  	v10 =	vld [tilespmem:s7+$0xFFFFFFF0]  }
0x17d: {  	v11 =	vld [tilespmem:$0x15980];
	_ =	sdelay $0x2  }
0x17e: {  	s9 =	sadd.s32 $0xFFFFFFF0, s8  }
0x17f: {  	v12 =	vor.u32 s9, v0;
	vm5 =	vgt.f32 v10, v9  }
0x180: {  	v9 =	vsel vm5, v10, v9;
	v10 =	vsel vm5, v12, v11  }
0x181: {  	[tilespmem:$0x15900] =	vst v9  }
0x182: {  	[tilespmem:$0x15980] =	vst v10;
	v9 =	vld [tilespmem:$0x15900]  }
0x183: {  	v10 =	vld [tilespmem:s7+$0x0]  }
.Ltmp8:
0x184: {  	v11 =	vld [tilespmem:$0x15980];
	(pc) =	sbr.rel @p5 .LBB2_13-.Ltmp8, $3  }
0x185: {  	_ =	sdelay $0x1  }
0x186: {  	v12 =	vor.u32 s8, v0  }
0x187: {  	vm5 =	vgt.f32 v10, v9  }
0x188: {  	v9 =	vsel vm5, v10, v9  }
0x189: {  	v10 =	vsel vm5, v12, v11;
	[tilespmem:$0x15900] =	vst v9  }
0x18a: {  	[tilespmem:$0x15980] =	vst v10  }
.LBB2_15:
.Ltmp9:
0x18b: {  	(pc) =	sbr.rel @p4 .LBB2_16-.Ltmp9, $1  }
0x18c: {  	_ =	sdelay $0x3  }
0x18d: {  	s3 =	sadd.s32 $0x1, s3  }
0x18e: {  	p4 =	seq.s32 s3, $0x3E9  }
.Ltmp10:
0x18f: {  	_ = 	snop;
	(pc) =	sbr.rel @!p4 .LBB2_7-.Ltmp10, $4  }
.Ltmp11:
0x190: {  	_ = 	snop;
	(pc) =	sbr.rel @p4 .LBB2_26-.Ltmp11, $4  }
0x191: {  	_ = 	snop  }
0x192: {  	_ = 	snop  }
0x193: {  	s0 =	simm.s32 @p2 $0x1  }
0x194: {  	_ = 	snop  }
.LBB2_16:
0x195: {  	p3 =	seq.s32 s0, $0x0  }
0x196: {  	p4 =	slt.s32 @!p3 s6, s30  }
0x197: {  	s4 =	rddreg [dreg:$0x10];
	p4 =	por p3, p4  }
0x198: {  	p5 =	sge.s32 @!p4 s6, s4  }
0x199: {  	p4 =	por p4, p5  }
.Ltmp12:
0x19a: {  	_ = 	snop;
	(pc) =	sbr.rel @p4 .LBB2_20-.Ltmp12, $4  }
0x19b: {  	_ = 	snop  }
0x19c: {  	s19 =	simm.s32 $0xB400  }
0x19d: {  	s29 =	simm.s32 $0xD800;
	[tilespmem:v8+s19+$0x0] =	vst.idx.msk $0x1, v1  }
0x19e: {  	[tilespmem:v8+s29+$0x0] =	vst.idx.msk $0x1, v1  }
0x19f: {  	[tilespmem:$0x15900] =	vst v1  }
0x1a0: {  	[tilespmem:$0x15980] =	vst v3;
	v9 =	vld [tilespmem:$0x15900]  }
0x1a1: {  	v10 =	vld [tilespmem:s22+$0xFFFFFFF0];
	_ =	sdelay $0x1  }
0x1a2: {  	v11 =	vld [tilespmem:$0x15980];
	_ =	sdelay $0x2  }
0x1a3: {  	vm5 =	vgt.f32 v10, v9  }
0x1a4: {  	v9 =	vsel vm5, v10, v9  }
0x1a5: {  	v10 =	vsel vm5, v7, v11;
	[tilespmem:$0x15900] =	vst v9  }
0x1a6: {  	[tilespmem:$0x15980] =	vst v10;
	v9 =	vld [tilespmem:$0x15900]  }
0x1a7: {  	v10 =	vld [tilespmem:s22+$0x0]  }
0x1a8: {  	v11 =	vld [tilespmem:$0x15980];
	_ =	sdelay $0x3  }
0x1a9: {  	s4 =	simm.s32 $0x0;
	v12 =	vor.u32 s21, v0;
	s6 =	smov.u32 s22;
	s7 =	smov.u32 s21;
	vm5 =	vgt.f32 v10, v9  }
.LBB2_18:
0x1aa: {  	s4 =	sadd.s32 $0x2, s4;
	v9 =	vsel vm5, v10, v9;
	v10 =	vsel vm5, v12, v11;
	s6 =	sadd.s32 $0x20, s6;
	s7 =	sadd.s32 $0x20, s7  }
0x1ab: {  	p4 =	slt.u32 s4, $0x22;
	[tilespmem:$0x15900] =	vst v9  }
0x1ac: {  	v9 =	vld [tilespmem:$0x15900];
	[tilespmem:$0x15980] =	vst v10  }
0x1ad: {  	v10 =	vld [tilespmem:s6+$0xFFFFFFF0]  }
0x1ae: {  	v11 =	vld [tilespmem:$0x15980];
	_ =	sdelay $0x2  }
0x1af: {  	s8 =	sadd.s32 $0xFFFFFFF0, s7  }
0x1b0: {  	v12 =	vor.u32 s8, v0;
	vm5 =	vgt.f32 v10, v9  }
0x1b1: {  	v9 =	vsel vm5, v10, v9;
	v10 =	vsel vm5, v12, v11  }
0x1b2: {  	[tilespmem:$0x15900] =	vst v9  }
0x1b3: {  	[tilespmem:$0x15980] =	vst v10;
	v9 =	vld [tilespmem:$0x15900]  }
0x1b4: {  	v10 =	vld [tilespmem:s6+$0x0]  }
.Ltmp13:
0x1b5: {  	v11 =	vld [tilespmem:$0x15980];
	(pc) =	sbr.rel @p4 .LBB2_18-.Ltmp13, $3  }
0x1b6: {  	_ =	sdelay $0x1  }
0x1b7: {  	v12 =	vor.u32 s7, v0  }
0x1b8: {  	vm5 =	vgt.f32 v10, v9  }
0x1b9: {  	v9 =	vsel vm5, v10, v9  }
0x1ba: {  	v10 =	vsel vm5, v12, v11;
	[tilespmem:$0x15900] =	vst v9  }
0x1bb: {  	[tilespmem:$0x15980] =	vst v10  }
.LBB2_20:
.Ltmp14:
0x1bc: {  	(pc) =	sbr.rel @p1 .LBB2_21-.Ltmp14, $1  }
0x1bd: {  	_ =	sdelay $0x3  }
0x1be: {  	s3 =	sadd.s32 $0x1, s3  }
0x1bf: {  	p3 =	seq.s32 s3, $0x3E9  }
.Ltmp15:
0x1c0: {  	_ = 	snop;
	(pc) =	sbr.rel @p3 .LBB2_28-.Ltmp15, $1  }
0x1c1: {  	_ =	sdelay $0x3  }
.Ltmp16:
0x1c2: {  	(pc) =	sbr.rel .LBB2_6-.Ltmp16, $2  }
0x1c3: {  	_ =	sdelay $0x2  }
0x1c4: {  	s0 =	simm.s32 @p2 $0x1;
	s24 =	sadd.s32 $0x1, s24  }
.LBB2_21:
0x1c5: {  	_ =	sdelay $0x3  }
0x1c6: {  	v9 =	vld.idx.msk [tilespmem:v8+s25+$0x0], $0xffff  }
0x1c7: {  	v10 =	vld.idx.msk [tilespmem:v8+s26+$0x0], $0xffff;
	s4 =	simm.s32 $0x2400  }
0x1c8: {  	v11 =	vld.idx.msk [tilespmem:v8+s4+$0x0], $0xffff  }
0x1c9: {  	s16 =	sshll.u32 s24, $0x2;
	v8 =	vld.idx.msk [tilespmem:v8+s2+$0x0], $0xffff  }
0x1ca: {  	s3 =	sadd.s32 $0x1, s3;
	v12 =	vor.u32 s16, v6  }
0x1cb: {  	v13 =	vmov s24;
	s5 =	simm.s32 @!p3 $0xBF800000;
	p3 =	seq.s32 s3, $0x3E9  }
.Ltmp17:
0x1cc: {  	v9 =	vsel vm2, v10, v9;
	(pc) =	sbr.rel @p3 .LBB2_27-.Ltmp17, $4  }
0x1cd: {  	v9 =	vsel vm3, v9, v11  }
0x1ce: {  	s19 =	simm.s32 $0x14500;
	v8 =	vsel vm4, v8, v9  }
0x1cf: {  	s29 =	simm.s32 $0x15500;
	[tilespmem:v12+s19+$0x0] =	vst.idx.msk $0xf, v8;
	v8 =	vmov s5  }
0x1d0: {  	[tilespmem:v13+s29+$0x0] =	vst.idx.msk $0x1, v8  }
.Ltmp18:
0x1d1: {  	(pc) =	sbr.rel .LBB2_6-.Ltmp18, $2  }
0x1d2: {  	_ =	sdelay $0x2  }
0x1d3: {  	s0 =	simm.s32 @p2 $0x1;
	s24 =	sadd.s32 $0x1, s24  }
.LBB2_27:
0x1d4: {  	s0 =	rddreg [dreg:$0x11];
	s3 =	simm.s32 $0x14500  }
0x1d5: {  	[hbm4b:s0+s2] =	stream.linear.scatter [tilespmem:s3], [sflag:$0x1], $0xFA0, $0x38;
	[tilespmem:$0x15A10] =	vst v63  }
0x1d6: {  	_ =	swait.ge [sflag:s23], $0xFA0  }
0x1d7: {  	s29 =	simm.s32 $0x15500;
	[sflag:s23] =	ssyncset.done $0x0  }
.Ltmp19:
0x1d8: {  	s24 =	rddreg [dreg:$0x12];
	[sflag:s23] =	ssyncadd.s32 $0xFFFFF060;
	(pc) =	sbr.rel .LBB2_28-.Ltmp19, $4  }
0x1d9: {  	[hbm4b:s24+s2] =	stream.linear.scatter [tilespmem:s29], [sflag:$0x1], $0x3E8, $0x38;
	[tilespmem:$0x15A10] =	vst v63  }
0x1da: {  	_ =	swait.ge [sflag:s23], $0x3E8  }
0x1db: {  	[sflag:s23] =	ssyncset.done $0x0  }
0x1dc: {  	[sflag:s23] =	ssyncadd.s32 $0xFFFFFC18  }
.LBB2_29:
0x1dd: {  	_ =	sfence.sel $0x180000  }
0x1de: {  	[bflag:$0x0] =	sbarrier.arrive $0xFFFF  }
0x1df: {  	_ =	strace $0x90000047  }
0x1e0: {  	[bflag:$0x2] =	sbarrier.arrive $0xFFFF  }
0x1e1: {  	s0 =	rddreg [dreg:$0x4]  }
0x1e2: {  	s0 =	sadd.s32 @!p0 $0x100000, s0  }
0x1e3: {  	[sflag:s0] =	ssyncadd.tile.s32 @!p0 $0x1;
	_ =	shalt  }
.Lfunc_end2:
_tile_overlayer_lowered:
.L_overlay_start_2:
0x1e4: {  	(tag) =	ssettag $0x2  }
0x1e5: {  	s0 =	rddreg [dreg:$0x0];
	s2 =	stileid.u32  }
0x1e6: {  	s1 =	rddreg [dreg:$0x1];
	p0 =	sne.s32 s2, $0x0  }
0x1e7: {  	s3 =	rddreg [dreg:$0x2];
	[bflag:$0x3] =	sbarrier.arrive $0xFFFF;
	s2 =	simm.s32 @!p0 $0x1C01  }
0x1e8: {  	[timem:s3], [sflag:s2] =	dma.local @!p0 [hbm:s0], s1  }
0x1e9: {  	s0 =	simm.s32 @!p0 $0x1  }
0x1ea: {  	_ =	swait.ge @!p0 [sflag:s0], s1  }
0x1eb: {  	s1 =	ssub.s32 @!p0 $0x0, s1;
	[sflag:s0] =	ssyncset.done @!p0 $0x0  }
0x1ec: {  	[sflag:s0] =	ssyncadd.s32 @!p0 s1  }
0x1ed: {  	[bflag:$0x3] =	sbarrier.arrive $0xFFFF  }
0x1ee: {  	_ =	shalt  }

</sc_bundles>
